<compile_context>
chip_gen: v7x
topology: tpu7x:2x2x1
jax: 0.10.2.dev20260603
libtpu: 0.0.44.dev20260713+nightly
codegen_flags: <defaults>
</compile_context>

<pallas_src>
import functools

import jax
import jax.numpy as jnp
from jax import lax
from jax.experimental import pallas as pl
from jax.experimental.pallas import tpu as pltpu
from jax.experimental.pallas import tpu_sc as plsc

DIM = 64
LN_EPS = 1e-5
CHUNK = 128


def _rsqrt_newton(x):
    xh = x * 0.5
    i = lax.bitcast_convert_type(x, jnp.int32)
    i = jnp.int32(0x5F3759DF) - lax.shift_right_arithmetic(i, 1)
    y = lax.bitcast_convert_type(i, jnp.float32)
    y = y * (1.5 - xh * y * y)
    y = y * (1.5 - xh * y * y)
    y = y * (1.5 - xh * y * y)
    return y


def kernel(input_ids, W, gamma, beta):
    s0, s1 = input_ids.shape
    B = s0 * s1
    ids = input_ids.reshape(B).astype(jnp.int32)

    info = plsc.get_sparse_core_info()
    NC, NS, L = info.num_cores, info.num_subcores, info.num_lanes
    NW = NC * NS
    b_per_w = B // NW
    n_chunks = b_per_w // CHUNK
    n2 = n_chunks // 2

    mesh = plsc.VectorSubcoreMesh(core_axis_name="c", subcore_axis_name="s")

    @functools.partial(
        pl.kernel,
        mesh=mesh,
        out_type=jax.ShapeDtypeStruct((B, DIM), jnp.float32),
        compiler_params=pltpu.CompilerParams(
            use_tc_tiling_on_sc=False, needs_layout_passes=False),
        scratch_types=[
            pltpu.VMEM((CHUNK,), jnp.int32),
            pltpu.VMEM((CHUNK,), jnp.int32),
            pltpu.VMEM((CHUNK, DIM), jnp.float32),
            pltpu.VMEM((CHUNK, DIM), jnp.float32),
            pltpu.VMEM((DIM,), jnp.float32),
            pltpu.VMEM((DIM,), jnp.float32),
            pltpu.SemaphoreType.DMA,
            pltpu.SemaphoreType.DMA,
            pltpu.SemaphoreType.DMA,
            pltpu.SemaphoreType.DMA,
        ],
    )
    def _k(ids_hbm, table_hbm, gamma_hbm, beta_hbm, out_hbm,
           idx_a, idx_b, rows_a, rows_b, gamma_v, beta_v,
           gs_a, gs_b, os_a, os_b):
        wid = lax.axis_index("s") * NC + lax.axis_index("c")
        base_w = wid * b_per_w
        pltpu.sync_copy(gamma_hbm, gamma_v)
        pltpu.sync_copy(beta_hbm, beta_v)
        gvecs = [gamma_v[pl.ds(16 * i, 16)] for i in range(DIM // 16)]
        bvecs = [beta_v[pl.ds(16 * i, 16)] for i in range(DIM // 16)]

        def ln_chunk(rows_v):
            def row_body(rr, _):
                for u in range(4):
                    r = rr * 4 + u
                    vs = [rows_v[r, pl.ds(16 * i, 16)]
                          for i in range(DIM // 16)]
                    s = (vs[0] + vs[1]) + (vs[2] + vs[3])
                    q = (vs[0] * vs[0] + vs[1] * vs[1]) + (
                        vs[2] * vs[2] + vs[3] * vs[3])
                    s1 = jnp.sum(s)
                    q1 = jnp.sum(q)
                    mean = jnp.zeros((16,), jnp.float32) + s1 * (1.0 / DIM)
                    msq = jnp.zeros((16,), jnp.float32) + q1 * (1.0 / DIM)
                    rstd = _rsqrt_newton(msq - mean * mean + LN_EPS)
                    for i in range(DIM // 16):
                        y = (vs[i] - mean) * rstd * gvecs[i] + bvecs[i]
                        rows_v[r, pl.ds(16 * i, 16)] = y
                return 0

            lax.fori_loop(0, CHUNK // 4, row_body, 0)

        def fetch(base, idx_v, rows_v, gsem):
            pltpu.sync_copy(ids_hbm.at[pl.ds(base, CHUNK)], idx_v)
            pltpu.async_copy(table_hbm.at[idx_v], rows_v, gsem)

        def gwait(idx_v, rows_v, gsem):
            pltpu.make_async_copy(table_hbm.at[idx_v], rows_v, gsem).wait()

        def owait(base, rows_v, osem):
            pltpu.make_async_copy(
                rows_v, out_hbm.at[pl.ds(base, CHUNK)], osem).wait()

        fetch(base_w, idx_a, rows_a, gs_a)

        def pair_body(t2, _):
            base_a = base_w + (2 * t2) * CHUNK
            base_b = base_a + CHUNK
            base_a2 = base_b + CHUNK
            @pl.when(t2 > 0)
            def _():
                owait(base_b - 2 * CHUNK, rows_b, os_b)
            fetch(base_b, idx_b, rows_b, gs_b)
            gwait(idx_a, rows_a, gs_a)
            ln_chunk(rows_a)
            pltpu.async_copy(rows_a, out_hbm.at[pl.ds(base_a, CHUNK)], os_a)
            @pl.when(t2 < n2 - 1)
            def _():
                owait(base_a, rows_a, os_a)
                fetch(base_a2, idx_a, rows_a, gs_a)
            gwait(idx_b, rows_b, gs_b)
            ln_chunk(rows_b)
            pltpu.async_copy(rows_b, out_hbm.at[pl.ds(base_b, CHUNK)], os_b)
            return 0

        lax.fori_loop(0, n2, pair_body, 0)
        owait(base_w + (2 * n2 - 2) * CHUNK, rows_a, os_a)
        owait(base_w + (2 * n2 - 1) * CHUNK, rows_b, os_b)

    out = _k(ids, W, gamma, beta)
    return out.reshape(s0, s1, DIM)

# --- scband reference (transcript-rebuilt; emitter-appended) ---
"""Pipeline reference for scband-word-embedding-17961553232517 (READ-ONLY COPY).

The authoritative reference and input builder live on the scoring server;
editing this copy changes nothing except your own understanding.
"""

import jax, jax.numpy as jnp
import numpy as np

VOCAB = 1000000
DIM = 64
EPS = 1e-05

def setup_inputs(seed: int = 0) -> dict:
    key = jax.random.key(seed)
    k1, k2 = jax.random.split(key, 2)
    input_ids = jax.random.randint(k1, (16384, 50), 0, VOCAB, dtype=jnp.int64 if jax.config.jax_enable_x64 else jnp.int32)
    # kaiming_normal_ on (vocab, dim): fan_in = dim, gain = sqrt(2) -> std = sqrt(2/dim)
    W = jax.random.normal(k2, (VOCAB, DIM), dtype=jnp.float32) * np.sqrt(2.0 / DIM)
    gamma = jnp.ones((DIM,), dtype=jnp.float32)
    beta = jnp.zeros((DIM,), dtype=jnp.float32)
    return {"input_ids": input_ids, "W": W, "gamma": gamma, "beta": beta}

def reference(input_ids, W, gamma, beta):
    # embedding lookup (gather)
    emb = jnp.take(W, input_ids, axis=0)
    # LayerNorm over last dim
    mean = jnp.mean(emb, axis=-1, keepdims=True)
    var = jnp.mean(jnp.square(emb - mean), axis=-1, keepdims=True)
    normed = (emb - mean) / jnp.sqrt(var + EPS)
    out = normed * gamma + beta
    # dropout prob is 0.0 -> identity
    return out

if __name__ == "__main__":
    import jax
    _d = setup_inputs()
    print(jax.jit(kernel)(*tuple(_d.values())))

</pallas_src>

<mosaic_0001>
#map = affine_map<(d0, d1) -> (0)>
#map1 = affine_map<(d0, d1) -> (0, 0)>
module attributes {stable_mosaic.version = 14 : i64} {
  func.func @_k(%arg0: i32, %arg1: i32, %arg2: memref<819200xi32, #tpu.memory_space<hbm>>, %arg3: memref<1000000x64xf32, #tpu.memory_space<hbm>>, %arg4: memref<64xf32, #tpu.memory_space<hbm>>, %arg5: memref<64xf32, #tpu.memory_space<hbm>>, %arg6: memref<819200x64xf32, #tpu.memory_space<hbm>>, %arg7: memref<128xi32, #tpu.memory_space<vmem>>, %arg8: memref<128xi32, #tpu.memory_space<vmem>>, %arg9: memref<128x64xf32, #tpu.memory_space<vmem>>, %arg10: memref<128x64xf32, #tpu.memory_space<vmem>>, %arg11: memref<64xf32, #tpu.memory_space<vmem>>, %arg12: memref<64xf32, #tpu.memory_space<vmem>>, %arg13: memref<!tpu.dma_semaphore, #tpu.memory_space<semaphore_mem>>, %arg14: memref<!tpu.dma_semaphore, #tpu.memory_space<semaphore_mem>>, %arg15: memref<!tpu.dma_semaphore, #tpu.memory_space<semaphore_mem>>, %arg16: memref<!tpu.dma_semaphore, #tpu.memory_space<semaphore_mem>>) attributes {dimension_semantics = [#tpu.dimension_semantics<core_parallel>, #tpu.dimension_semantics<subcore_parallel>], iteration_bounds = array<i64: 2, 16>, scalar_prefetch = 0 : i64, scratch_operands = 10 : i64, tpu.core_type = #tpu.core_type<sc_vector_subcore>, window_params = [{transform_indices = #map}, {transform_indices = #map1}, {transform_indices = #map}, {transform_indices = #map}, {transform_indices = #map1}]} {
    %mul3A = arith.constant 2 : i32
    %mul3A_0 = arith.muli %arg1, %mul3A : i32
    %add3A = arith.addi %mul3A_0, %arg0 : i32
    %mul3A_1 = arith.constant 25600 : i32
    %mul3A_2 = arith.muli %add3A, %mul3A_1 : i32
    "tpu.region"() ({
      %run_scoped3A = tpu.sem_alloc : memref<!tpu.dma_semaphore, #tpu.memory_space<semaphore_mem>>
      tpu.enqueue_dma source(%arg4 : memref<64xf32, #tpu.memory_space<hbm>>) target(%arg11 : memref<64xf32, #tpu.memory_space<vmem>>) target_semaphore(%run_scoped3A : memref<!tpu.dma_semaphore, #tpu.memory_space<semaphore_mem>>)
      tpu.wait_dma2 semaphore(%run_scoped3A : memref<!tpu.dma_semaphore, #tpu.memory_space<semaphore_mem>>) src(%arg4 : memref<64xf32, #tpu.memory_space<hbm>>) dst(%arg11 : memref<64xf32, #tpu.memory_space<vmem>>)
      tpu.yield
    }) : () -> ()
    "tpu.region"() ({
      %run_scoped3A = tpu.sem_alloc : memref<!tpu.dma_semaphore, #tpu.memory_space<semaphore_mem>>
      tpu.enqueue_dma source(%arg5 : memref<64xf32, #tpu.memory_space<hbm>>) target(%arg12 : memref<64xf32, #tpu.memory_space<vmem>>) target_semaphore(%run_scoped3A : memref<!tpu.dma_semaphore, #tpu.memory_space<semaphore_mem>>)
      tpu.wait_dma2 semaphore(%run_scoped3A : memref<!tpu.dma_semaphore, #tpu.memory_space<semaphore_mem>>) src(%arg5 : memref<64xf32, #tpu.memory_space<hbm>>) dst(%arg12 : memref<64xf32, #tpu.memory_space<vmem>>)
      tpu.yield
    }) : () -> ()
    %get3A = arith.constant 0 : index
    %get3A_3 = tpu.vector_load %arg11[%get3A] {strides = array<i32>} : memref<64xf32, #tpu.memory_space<vmem>>, vector<16xf32>,
    %get3A_4 = arith.constant 16 : index
    %get3A_5 = tpu.vector_load %arg11[%get3A_4] {strides = array<i32>} : memref<64xf32, #tpu.memory_space<vmem>>, vector<16xf32>,
    %get3A_6 = arith.constant 32 : index
    %get3A_7 = tpu.vector_load %arg11[%get3A_6] {strides = array<i32>} : memref<64xf32, #tpu.memory_space<vmem>>, vector<16xf32>,
    %get3A_8 = arith.constant 48 : index
    %get3A_9 = tpu.vector_load %arg11[%get3A_8] {strides = array<i32>} : memref<64xf32, #tpu.memory_space<vmem>>, vector<16xf32>,
    %get3A_10 = arith.constant 0 : index
    %get3A_11 = tpu.vector_load %arg12[%get3A_10] {strides = array<i32>} : memref<64xf32, #tpu.memory_space<vmem>>, vector<16xf32>,
    %get3A_12 = arith.constant 16 : index
    %get3A_13 = tpu.vector_load %arg12[%get3A_12] {strides = array<i32>} : memref<64xf32, #tpu.memory_space<vmem>>, vector<16xf32>,
    %get3A_14 = arith.constant 32 : index
    %get3A_15 = tpu.vector_load %arg12[%get3A_14] {strides = array<i32>} : memref<64xf32, #tpu.memory_space<vmem>>, vector<16xf32>,
    %get3A_16 = arith.constant 48 : index
    %get3A_17 = tpu.vector_load %arg12[%get3A_16] {strides = array<i32>} : memref<64xf32, #tpu.memory_space<vmem>>, vector<16xf32>,
    "tpu.region"() ({
      %run_scoped3A = tpu.sem_alloc : memref<!tpu.dma_semaphore, #tpu.memory_space<semaphore_mem>>
      %dma_start3A_37 = tpu.memref_slice %arg2[%mul3A_2] : memref<819200xi32, #tpu.memory_space<hbm>> -> memref<128xi32, #tpu.memory_space<hbm>>
      %dma_start3A_38 = tpu.memref_slice %arg2[%mul3A_2] : memref<819200xi32, #tpu.memory_space<hbm>> -> memref<128xi32, #tpu.memory_space<hbm>>
      tpu.enqueue_dma source(%dma_start3A_38 : memref<128xi32, #tpu.memory_space<hbm>>) target(%arg7 : memref<128xi32, #tpu.memory_space<vmem>>) target_semaphore(%run_scoped3A : memref<!tpu.dma_semaphore, #tpu.memory_space<semaphore_mem>>)
      %dma_wait3A_39 = tpu.memref_slice %arg2[%mul3A_2] : memref<819200xi32, #tpu.memory_space<hbm>> -> memref<128xi32, #tpu.memory_space<hbm>>
      %dma_wait3A_40 = tpu.memref_slice %arg2[%mul3A_2] : memref<819200xi32, #tpu.memory_space<hbm>> -> memref<128xi32, #tpu.memory_space<hbm>>
      tpu.wait_dma2 semaphore(%run_scoped3A : memref<!tpu.dma_semaphore, #tpu.memory_space<semaphore_mem>>) src(%dma_wait3A_40 : memref<128xi32, #tpu.memory_space<hbm>>) dst(%arg7 : memref<128xi32, #tpu.memory_space<vmem>>)
      tpu.yield
    }) : () -> ()
    %dma_start3A = arith.constant 0 : i32
    %dma_start3A_18 = arith.constant 0 : i32
    %dma_start3A_19 = tpu.memref_slice %arg3[%dma_start3A, %dma_start3A_18] : memref<1000000x64xf32, #tpu.memory_space<hbm>> -> memref<1000000x64xf32, #tpu.memory_space<hbm>>
    tpu.enqueue_indirect_dma source(%dma_start3A_19 : memref<1000000x64xf32, #tpu.memory_space<hbm>>) target(%arg9 : memref<128x64xf32, #tpu.memory_space<vmem>>) offsets(%arg7 : memref<128xi32, #tpu.memory_space<vmem>>) semaphore(%arg13 : memref<!tpu.dma_semaphore, #tpu.memory_space<semaphore_mem>>)
    %scan3A = arith.constant 0 : i32
    %scan3A_20 = arith.constant 0 : i32
    %scan3A_21 = arith.constant 100 : i32
    %scan3A_22 = arith.addi %scan3A_20, %scan3A_21 : i32
    %scan3A_23 = arith.constant 1 : i32
    %scan3A_24 = scf.for %scan3A_37 = %scan3A_20 to %scan3A_22 step %scan3A_23 iter_args(%scan3A_38 = %scan3A) -> (i32)  : i32 {
      %mul3A_39 = arith.constant 2 : i32
      %mul3A_40 = arith.muli %mul3A_39, %scan3A_37 : i32
      %mul3A_41 = arith.constant 128 : i32
      %mul3A_42 = arith.muli %mul3A_40, %mul3A_41 : i32
      %add3A_43 = arith.addi %mul3A_2, %mul3A_42 : i32
      %add3A_44 = arith.constant 128 : i32
      %add3A_45 = arith.addi %add3A_43, %add3A_44 : i32
      %add3A_46 = arith.constant 128 : i32
      %add3A_47 = arith.addi %add3A_45, %add3A_46 : i32
      %gt3A = arith.constant 0 : i32
      %gt3A_48 = arith.cmpi sgt, %scan3A_37, %gt3A : i32
      %convert_element_type3A = arith.extui %gt3A_48 : i1 to i32
      %cond3A = arith.constant 0 : i32
      %cond3A_49 = arith.cmpi ne, %convert_element_type3A, %cond3A : i32
      scf.if %cond3A_49 {
        %sub3A = arith.constant 256 : i32
        %sub3A_86 = arith.subi %add3A_45, %sub3A : i32
        %dma_wait3A_87 = arith.constant 0 : i32
        %dma_wait3A_88 = tpu.memref_slice %arg6[%sub3A_86, %dma_wait3A_87] : memref<819200x64xf32, #tpu.memory_space<hbm>> -> memref<128x64xf32, #tpu.memory_space<hbm>>
        %dma_wait3A_89 = arith.constant 0 : i32
        %dma_wait3A_90 = tpu.memref_slice %arg6[%sub3A_86, %dma_wait3A_89] : memref<819200x64xf32, #tpu.memory_space<hbm>> -> memref<128x64xf32, #tpu.memory_space<hbm>>
        tpu.wait_dma2 semaphore(%arg16 : memref<!tpu.dma_semaphore, #tpu.memory_space<semaphore_mem>>) src(%arg10 : memref<128x64xf32, #tpu.memory_space<vmem>>) dst(%dma_wait3A_90 : memref<128x64xf32, #tpu.memory_space<hbm>>)
      } else {
      }
      "tpu.region"() ({
        %run_scoped3A = tpu.sem_alloc : memref<!tpu.dma_semaphore, #tpu.memory_space<semaphore_mem>>
        %dma_start3A_86 = tpu.memref_slice %arg2[%add3A_45] : memref<819200xi32, #tpu.memory_space<hbm>> -> memref<128xi32, #tpu.memory_space<hbm>>
        %dma_start3A_87 = tpu.memref_slice %arg2[%add3A_45] : memref<819200xi32, #tpu.memory_space<hbm>> -> memref<128xi32, #tpu.memory_space<hbm>>
        tpu.enqueue_dma source(%dma_start3A_87 : memref<128xi32, #tpu.memory_space<hbm>>) target(%arg8 : memref<128xi32, #tpu.memory_space<vmem>>) target_semaphore(%run_scoped3A : memref<!tpu.dma_semaphore, #tpu.memory_space<semaphore_mem>>)
        %dma_wait3A_88 = tpu.memref_slice %arg2[%add3A_45] : memref<819200xi32, #tpu.memory_space<hbm>> -> memref<128xi32, #tpu.memory_space<hbm>>
        %dma_wait3A_89 = tpu.memref_slice %arg2[%add3A_45] : memref<819200xi32, #tpu.memory_space<hbm>> -> memref<128xi32, #tpu.memory_space<hbm>>
        tpu.wait_dma2 semaphore(%run_scoped3A : memref<!tpu.dma_semaphore, #tpu.memory_space<semaphore_mem>>) src(%dma_wait3A_89 : memref<128xi32, #tpu.memory_space<hbm>>) dst(%arg8 : memref<128xi32, #tpu.memory_space<vmem>>)
        tpu.yield
      }) : () -> ()
      %dma_start3A_50 = arith.constant 0 : i32
      %dma_start3A_51 = arith.constant 0 : i32
      %dma_start3A_52 = tpu.memref_slice %arg3[%dma_start3A_50, %dma_start3A_51] : memref<1000000x64xf32, #tpu.memory_space<hbm>> -> memref<1000000x64xf32, #tpu.memory_space<hbm>>
      tpu.enqueue_indirect_dma source(%dma_start3A_52 : memref<1000000x64xf32, #tpu.memory_space<hbm>>) target(%arg10 : memref<128x64xf32, #tpu.memory_space<vmem>>) offsets(%arg8 : memref<128xi32, #tpu.memory_space<vmem>>) semaphore(%arg14 : memref<!tpu.dma_semaphore, #tpu.memory_space<semaphore_mem>>)
      %dma_wait3A_53 = arith.constant 0 : i32
      %dma_wait3A_54 = arith.constant 0 : i32
      %dma_wait3A_55 = tpu.memref_slice %arg3[%dma_wait3A_53, %dma_wait3A_54] : memref<1000000x64xf32, #tpu.memory_space<hbm>> -> memref<1000000x64xf32, #tpu.memory_space<hbm>>
      tpu.wait_indirect_dma semaphore(%arg13 : memref<!tpu.dma_semaphore, #tpu.memory_space<semaphore_mem>>) src(%dma_wait3A_55 : memref<1000000x64xf32, #tpu.memory_space<hbm>>) dst(%arg9 : memref<128x64xf32, #tpu.memory_space<vmem>>)
      %scan3A_56 = arith.constant 0 : i32
      %scan3A_57 = arith.constant 0 : i32
      %scan3A_58 = arith.constant 32 : i32
      %scan3A_59 = arith.addi %scan3A_57, %scan3A_58 : i32
      %scan3A_60 = arith.constant 1 : i32
      %scan3A_61 = scf.for %scan3A_86 = %scan3A_57 to %scan3A_59 step %scan3A_60 iter_args(%scan3A_87 = %scan3A_56) -> (i32)  : i32 {
        %mul3A_88 = arith.constant 4 : i32
        %mul3A_89 = arith.muli %scan3A_86, %mul3A_88 : i32
        %add3A_90 = arith.constant 0 : i32
        %add3A_91 = arith.addi %mul3A_89, %add3A_90 : i32
        %get3A_92 = arith.index_cast %add3A_91 : i32 to index
        %get3A_93 = arith.constant 0 : index
        %get3A_94 = tpu.vector_load %arg9[%get3A_92, %get3A_93] {strides = array<i32>} : memref<128x64xf32, #tpu.memory_space<vmem>>, vector<16xf32>,
        %get3A_95 = arith.index_cast %add3A_91 : i32 to index
        %get3A_96 = arith.constant 16 : index
        %get3A_97 = tpu.vector_load %arg9[%get3A_95, %get3A_96] {strides = array<i32>} : memref<128x64xf32, #tpu.memory_space<vmem>>, vector<16xf32>,
        %get3A_98 = arith.index_cast %add3A_91 : i32 to index
        %get3A_99 = arith.constant 32 : index
        %get3A_100 = tpu.vector_load %arg9[%get3A_98, %get3A_99] {strides = array<i32>} : memref<128x64xf32, #tpu.memory_space<vmem>>, vector<16xf32>,
        %get3A_101 = arith.index_cast %add3A_91 : i32 to index
        %get3A_102 = arith.constant 48 : index
        %get3A_103 = tpu.vector_load %arg9[%get3A_101, %get3A_102] {strides = array<i32>} : memref<128x64xf32, #tpu.memory_space<vmem>>, vector<16xf32>,
        %add3A_104 = arith.addf %get3A_94, %get3A_97 : vector<16xf32>
        %add3A_105 = arith.addf %get3A_100, %get3A_103 : vector<16xf32>
        %add3A_106 = arith.addf %add3A_104, %add3A_105 : vector<16xf32>
        %mul3A_107 = arith.mulf %get3A_94, %get3A_94 : vector<16xf32>
        %mul3A_108 = arith.mulf %get3A_97, %get3A_97 : vector<16xf32>
        %add3A_109 = arith.addf %mul3A_107, %mul3A_108 : vector<16xf32>
        %mul3A_110 = arith.mulf %get3A_100, %get3A_100 : vector<16xf32>
        %mul3A_111 = arith.mulf %get3A_103, %get3A_103 : vector<16xf32>
        %add3A_112 = arith.addf %mul3A_110, %mul3A_111 : vector<16xf32>
        %add3A_113 = arith.addf %add3A_109, %add3A_112 : vector<16xf32>
        %reduce_sum3A = arith.constant true
        %reduce_sum3A_114 = vector.broadcast %reduce_sum3A : i1 to vector<16xi1>
        %reduce_sum3A_115 = tpu.scan <sum>, %add3A_106 masked %reduce_sum3A_114 : vector<16xf32>, vector<16xi1> -> vector<16xf32>
        %reduce_sum3A_116 = vector.extract %reduce_sum3A_115[15] : f32 from vector<16xf32>
        %reduce_sum3A_117 = arith.constant true
        %reduce_sum3A_118 = vector.broadcast %reduce_sum3A_117 : i1 to vector<16xi1>
        %reduce_sum3A_119 = tpu.scan <sum>, %add3A_113 masked %reduce_sum3A_118 : vector<16xf32>, vector<16xi1> -> vector<16xf32>
        %reduce_sum3A_120 = vector.extract %reduce_sum3A_119[15] : f32 from vector<16xf32>
        %broadcast_in_dim3A = arith.constant 0.000000e+00 : f32
        %broadcast_in_dim3A_121 = vector.broadcast %broadcast_in_dim3A : f32 to vector<16xf32>
        %mul3A_122 = arith.constant 1.562500e-02 : f32
        %mul3A_123 = arith.mulf %reduce_sum3A_116, %mul3A_122 : f32
        %add3A_124 = vector.broadcast %mul3A_123 : f32 to vector<16xf32>
        %add3A_125 = arith.addf %broadcast_in_dim3A_121, %add3A_124 : vector<16xf32>
        %broadcast_in_dim3A_126 = arith.constant 0.000000e+00 : f32
        %broadcast_in_dim3A_127 = vector.broadcast %broadcast_in_dim3A_126 : f32 to vector<16xf32>
        %mul3A_128 = arith.constant 1.562500e-02 : f32
        %mul3A_129 = arith.mulf %reduce_sum3A_120, %mul3A_128 : f32
        %add3A_130 = vector.broadcast %mul3A_129 : f32 to vector<16xf32>
        %add3A_131 = arith.addf %broadcast_in_dim3A_127, %add3A_130 : vector<16xf32>
        %mul3A_132 = arith.mulf %add3A_125, %add3A_125 : vector<16xf32>
        %sub3A = arith.subf %add3A_131, %mul3A_132 : vector<16xf32>
        %add3A_133 = arith.constant 9.99999974E-6 : f32
        %add3A_134 = vector.broadcast %add3A_133 : f32 to vector<16xf32>
        %add3A_135 = arith.addf %sub3A, %add3A_134 : vector<16xf32>
        %mul3A_136 = arith.constant 5.000000e-01 : f32
        %mul3A_137 = vector.broadcast %mul3A_136 : f32 to vector<16xf32>
        %mul3A_138 = arith.mulf %add3A_135, %mul3A_137 : vector<16xf32>
        %bitcast_convert_type3A = tpu.bitcast %add3A_135 : vector<16xf32> -> vector<16xi32>
        %shift_right_arithmetic3A = arith.constant 1 : i32
        %shift_right_arithmetic3A_139 = vector.broadcast %shift_right_arithmetic3A : i32 to vector<16xi32>
        %shift_right_arithmetic3A_140 = arith.shrsi %bitcast_convert_type3A, %shift_right_arithmetic3A_139 : vector<16xi32>
        %sub3A_141 = arith.constant 1597463007 : i32
        %sub3A_142 = vector.broadcast %sub3A_141 : i32 to vector<16xi32>
        %sub3A_143 = arith.subi %sub3A_142, %shift_right_arithmetic3A_140 : vector<16xi32>
        %bitcast_convert_type3A_144 = tpu.bitcast %sub3A_143 : vector<16xi32> -> vector<16xf32>
        %mul3A_145 = arith.mulf %mul3A_138, %bitcast_convert_type3A_144 : vector<16xf32>
        %mul3A_146 = arith.mulf %mul3A_145, %bitcast_convert_type3A_144 : vector<16xf32>
        %sub3A_147 = arith.constant 1.500000e+00 : f32
        %sub3A_148 = vector.broadcast %sub3A_147 : f32 to vector<16xf32>
        %sub3A_149 = arith.subf %sub3A_148, %mul3A_146 : vector<16xf32>
        %mul3A_150 = arith.mulf %bitcast_convert_type3A_144, %sub3A_149 : vector<16xf32>
        %mul3A_151 = arith.mulf %mul3A_138, %mul3A_150 : vector<16xf32>
        %mul3A_152 = arith.mulf %mul3A_151, %mul3A_150 : vector<16xf32>
        %sub3A_153 = arith.constant 1.500000e+00 : f32
        %sub3A_154 = vector.broadcast %sub3A_153 : f32 to vector<16xf32>
        %sub3A_155 = arith.subf %sub3A_154, %mul3A_152 : vector<16xf32>
        %mul3A_156 = arith.mulf %mul3A_150, %sub3A_155 : vector<16xf32>
        %mul3A_157 = arith.mulf %mul3A_138, %mul3A_156 : vector<16xf32>
        %mul3A_158 = arith.mulf %mul3A_157, %mul3A_156 : vector<16xf32>
        %sub3A_159 = arith.constant 1.500000e+00 : f32
        %sub3A_160 = vector.broadcast %sub3A_159 : f32 to vector<16xf32>
        %sub3A_161 = arith.subf %sub3A_160, %mul3A_158 : vector<16xf32>
        %mul3A_162 = arith.mulf %mul3A_156, %sub3A_161 : vector<16xf32>
        %sub3A_163 = arith.subf %get3A_94, %add3A_125 : vector<16xf32>
        %mul3A_164 = arith.mulf %sub3A_163, %mul3A_162 : vector<16xf32>
        %mul3A_165 = arith.mulf %mul3A_164, %get3A_3 : vector<16xf32>
        %add3A_166 = arith.addf %mul3A_165, %get3A_11 : vector<16xf32>
        %swap3A = arith.index_cast %add3A_91 : i32 to index
        %swap3A_167 = arith.constant 0 : index
        %swap3A_168 = tpu.vector_load %arg9[%swap3A, %swap3A_167] {strides = array<i32>} : memref<128x64xf32, #tpu.memory_space<vmem>>, vector<16xf32>,
        tpu.vector_store %arg9[%swap3A, %swap3A_167], %add3A_166 {strides = array<i32>} : memref<128x64xf32, #tpu.memory_space<vmem>>, vector<16xf32>,
        %sub3A_169 = arith.subf %get3A_97, %add3A_125 : vector<16xf32>
        %mul3A_170 = arith.mulf %sub3A_169, %mul3A_162 : vector<16xf32>
        %mul3A_171 = arith.mulf %mul3A_170, %get3A_5 : vector<16xf32>
        %add3A_172 = arith.addf %mul3A_171, %get3A_13 : vector<16xf32>
        %swap3A_173 = arith.index_cast %add3A_91 : i32 to index
        %swap3A_174 = arith.constant 16 : index
        %swap3A_175 = tpu.vector_load %arg9[%swap3A_173, %swap3A_174] {strides = array<i32>} : memref<128x64xf32, #tpu.memory_space<vmem>>, vector<16xf32>,
        tpu.vector_store %arg9[%swap3A_173, %swap3A_174], %add3A_172 {strides = array<i32>} : memref<128x64xf32, #tpu.memory_space<vmem>>, vector<16xf32>,
        %sub3A_176 = arith.subf %get3A_100, %add3A_125 : vector<16xf32>
        %mul3A_177 = arith.mulf %sub3A_176, %mul3A_162 : vector<16xf32>
        %mul3A_178 = arith.mulf %mul3A_177, %get3A_7 : vector<16xf32>
        %add3A_179 = arith.addf %mul3A_178, %get3A_15 : vector<16xf32>
        %swap3A_180 = arith.index_cast %add3A_91 : i32 to index
        %swap3A_181 = arith.constant 32 : index
        %swap3A_182 = tpu.vector_load %arg9[%swap3A_180, %swap3A_181] {strides = array<i32>} : memref<128x64xf32, #tpu.memory_space<vmem>>, vector<16xf32>,
        tpu.vector_store %arg9[%swap3A_180, %swap3A_181], %add3A_179 {strides = array<i32>} : memref<128x64xf32, #tpu.memory_space<vmem>>, vector<16xf32>,
        %sub3A_183 = arith.subf %get3A_103, %add3A_125 : vector<16xf32>
        %mul3A_184 = arith.mulf %sub3A_183, %mul3A_162 : vector<16xf32>
        %mul3A_185 = arith.mulf %mul3A_184, %get3A_9 : vector<16xf32>
        %add3A_186 = arith.addf %mul3A_185, %get3A_17 : vector<16xf32>
        %swap3A_187 = arith.index_cast %add3A_91 : i32 to index
        %swap3A_188 = arith.constant 48 : index
        %swap3A_189 = tpu.vector_load %arg9[%swap3A_187, %swap3A_188] {strides = array<i32>} : memref<128x64xf32, #tpu.memory_space<vmem>>, vector<16xf32>,
        tpu.vector_store %arg9[%swap3A_187, %swap3A_188], %add3A_186 {strides = array<i32>} : memref<128x64xf32, #tpu.memory_space<vmem>>, vector<16xf32>,
        %mul3A_190 = arith.constant 4 : i32
        %mul3A_191 = arith.muli %scan3A_86, %mul3A_190 : i32
        %add3A_192 = arith.constant 1 : i32
        %add3A_193 = arith.addi %mul3A_191, %add3A_192 : i32
        %get3A_194 = arith.index_cast %add3A_193 : i32 to index
        %get3A_195 = arith.constant 0 : index
        %get3A_196 = tpu.vector_load %arg9[%get3A_194, %get3A_195] {strides = array<i32>} : memref<128x64xf32, #tpu.memory_space<vmem>>, vector<16xf32>,
        %get3A_197 = arith.index_cast %add3A_193 : i32 to index
        %get3A_198 = arith.constant 16 : index
        %get3A_199 = tpu.vector_load %arg9[%get3A_197, %get3A_198] {strides = array<i32>} : memref<128x64xf32, #tpu.memory_space<vmem>>, vector<16xf32>,
        %get3A_200 = arith.index_cast %add3A_193 : i32 to index
        %get3A_201 = arith.constant 32 : index
        %get3A_202 = tpu.vector_load %arg9[%get3A_200, %get3A_201] {strides = array<i32>} : memref<128x64xf32, #tpu.memory_space<vmem>>, vector<16xf32>,
        %get3A_203 = arith.index_cast %add3A_193 : i32 to index
        %get3A_204 = arith.constant 48 : index
        %get3A_205 = tpu.vector_load %arg9[%get3A_203, %get3A_204] {strides = array<i32>} : memref<128x64xf32, #tpu.memory_space<vmem>>, vector<16xf32>,
        %add3A_206 = arith.addf %get3A_196, %get3A_199 : vector<16xf32>
        %add3A_207 = arith.addf %get3A_202, %get3A_205 : vector<16xf32>
        %add3A_208 = arith.addf %add3A_206, %add3A_207 : vector<16xf32>
        %mul3A_209 = arith.mulf %get3A_196, %get3A_196 : vector<16xf32>
        %mul3A_210 = arith.mulf %get3A_199, %get3A_199 : vector<16xf32>
        %add3A_211 = arith.addf %mul3A_209, %mul3A_210 : vector<16xf32>
        %mul3A_212 = arith.mulf %get3A_202, %get3A_202 : vector<16xf32>
        %mul3A_213 = arith.mulf %get3A_205, %get3A_205 : vector<16xf32>
        %add3A_214 = arith.addf %mul3A_212, %mul3A_213 : vector<16xf32>
        %add3A_215 = arith.addf %add3A_211, %add3A_214 : vector<16xf32>
        %reduce_sum3A_216 = arith.constant true
        %reduce_sum3A_217 = vector.broadcast %reduce_sum3A_216 : i1 to vector<16xi1>
        %reduce_sum3A_218 = tpu.scan <sum>, %add3A_208 masked %reduce_sum3A_217 : vector<16xf32>, vector<16xi1> -> vector<16xf32>
        %reduce_sum3A_219 = vector.extract %reduce_sum3A_218[15] : f32 from vector<16xf32>
        %reduce_sum3A_220 = arith.constant true
        %reduce_sum3A_221 = vector.broadcast %reduce_sum3A_220 : i1 to vector<16xi1>
        %reduce_sum3A_222 = tpu.scan <sum>, %add3A_215 masked %reduce_sum3A_221 : vector<16xf32>, vector<16xi1> -> vector<16xf32>
        %reduce_sum3A_223 = vector.extract %reduce_sum3A_222[15] : f32 from vector<16xf32>
        %broadcast_in_dim3A_224 = arith.constant 0.000000e+00 : f32
        %broadcast_in_dim3A_225 = vector.broadcast %broadcast_in_dim3A_224 : f32 to vector<16xf32>
        %mul3A_226 = arith.constant 1.562500e-02 : f32
        %mul3A_227 = arith.mulf %reduce_sum3A_219, %mul3A_226 : f32
        %add3A_228 = vector.broadcast %mul3A_227 : f32 to vector<16xf32>
        %add3A_229 = arith.addf %broadcast_in_dim3A_225, %add3A_228 : vector<16xf32>
        %broadcast_in_dim3A_230 = arith.constant 0.000000e+00 : f32
        %broadcast_in_dim3A_231 = vector.broadcast %broadcast_in_dim3A_230 : f32 to vector<16xf32>
        %mul3A_232 = arith.constant 1.562500e-02 : f32
        %mul3A_233 = arith.mulf %reduce_sum3A_223, %mul3A_232 : f32
        %add3A_234 = vector.broadcast %mul3A_233 : f32 to vector<16xf32>
        %add3A_235 = arith.addf %broadcast_in_dim3A_231, %add3A_234 : vector<16xf32>
        %mul3A_236 = arith.mulf %add3A_229, %add3A_229 : vector<16xf32>
        %sub3A_237 = arith.subf %add3A_235, %mul3A_236 : vector<16xf32>
        %add3A_238 = arith.constant 9.99999974E-6 : f32
        %add3A_239 = vector.broadcast %add3A_238 : f32 to vector<16xf32>
        %add3A_240 = arith.addf %sub3A_237, %add3A_239 : vector<16xf32>
        %mul3A_241 = arith.constant 5.000000e-01 : f32
        %mul3A_242 = vector.broadcast %mul3A_241 : f32 to vector<16xf32>
        %mul3A_243 = arith.mulf %add3A_240, %mul3A_242 : vector<16xf32>
        %bitcast_convert_type3A_244 = tpu.bitcast %add3A_240 : vector<16xf32> -> vector<16xi32>
        %shift_right_arithmetic3A_245 = arith.constant 1 : i32
        %shift_right_arithmetic3A_246 = vector.broadcast %shift_right_arithmetic3A_245 : i32 to vector<16xi32>
        %shift_right_arithmetic3A_247 = arith.shrsi %bitcast_convert_type3A_244, %shift_right_arithmetic3A_246 : vector<16xi32>
        %sub3A_248 = arith.constant 1597463007 : i32
        %sub3A_249 = vector.broadcast %sub3A_248 : i32 to vector<16xi32>
        %sub3A_250 = arith.subi %sub3A_249, %shift_right_arithmetic3A_247 : vector<16xi32>
        %bitcast_convert_type3A_251 = tpu.bitcast %sub3A_250 : vector<16xi32> -> vector<16xf32>
        %mul3A_252 = arith.mulf %mul3A_243, %bitcast_convert_type3A_251 : vector<16xf32>
        %mul3A_253 = arith.mulf %mul3A_252, %bitcast_convert_type3A_251 : vector<16xf32>
        %sub3A_254 = arith.constant 1.500000e+00 : f32
        %sub3A_255 = vector.broadcast %sub3A_254 : f32 to vector<16xf32>
        %sub3A_256 = arith.subf %sub3A_255, %mul3A_253 : vector<16xf32>
        %mul3A_257 = arith.mulf %bitcast_convert_type3A_251, %sub3A_256 : vector<16xf32>
        %mul3A_258 = arith.mulf %mul3A_243, %mul3A_257 : vector<16xf32>
        %mul3A_259 = arith.mulf %mul3A_258, %mul3A_257 : vector<16xf32>
        %sub3A_260 = arith.constant 1.500000e+00 : f32
        %sub3A_261 = vector.broadcast %sub3A_260 : f32 to vector<16xf32>
        %sub3A_262 = arith.subf %sub3A_261, %mul3A_259 : vector<16xf32>
        %mul3A_263 = arith.mulf %mul3A_257, %sub3A_262 : vector<16xf32>
        %mul3A_264 = arith.mulf %mul3A_243, %mul3A_263 : vector<16xf32>
        %mul3A_265 = arith.mulf %mul3A_264, %mul3A_263 : vector<16xf32>
        %sub3A_266 = arith.constant 1.500000e+00 : f32
        %sub3A_267 = vector.broadcast %sub3A_266 : f32 to vector<16xf32>
        %sub3A_268 = arith.subf %sub3A_267, %mul3A_265 : vector<16xf32>
        %mul3A_269 = arith.mulf %mul3A_263, %sub3A_268 : vector<16xf32>
        %sub3A_270 = arith.subf %get3A_196, %add3A_229 : vector<16xf32>
        %mul3A_271 = arith.mulf %sub3A_270, %mul3A_269 : vector<16xf32>
        %mul3A_272 = arith.mulf %mul3A_271, %get3A_3 : vector<16xf32>
        %add3A_273 = arith.addf %mul3A_272, %get3A_11 : vector<16xf32>
        %swap3A_274 = arith.index_cast %add3A_193 : i32 to index
        %swap3A_275 = arith.constant 0 : index
        %swap3A_276 = tpu.vector_load %arg9[%swap3A_274, %swap3A_275] {strides = array<i32>} : memref<128x64xf32, #tpu.memory_space<vmem>>, vector<16xf32>,
        tpu.vector_store %arg9[%swap3A_274, %swap3A_275], %add3A_273 {strides = array<i32>} : memref<128x64xf32, #tpu.memory_space<vmem>>, vector<16xf32>,
        %sub3A_277 = arith.subf %get3A_199, %add3A_229 : vector<16xf32>
        %mul3A_278 = arith.mulf %sub3A_277, %mul3A_269 : vector<16xf32>
        %mul3A_279 = arith.mulf %mul3A_278, %get3A_5 : vector<16xf32>
        %add3A_280 = arith.addf %mul3A_279, %get3A_13 : vector<16xf32>
        %swap3A_281 = arith.index_cast %add3A_193 : i32 to index
        %swap3A_282 = arith.constant 16 : index
        %swap3A_283 = tpu.vector_load %arg9[%swap3A_281, %swap3A_282] {strides = array<i32>} : memref<128x64xf32, #tpu.memory_space<vmem>>, vector<16xf32>,
        tpu.vector_store %arg9[%swap3A_281, %swap3A_282], %add3A_280 {strides = array<i32>} : memref<128x64xf32, #tpu.memory_space<vmem>>, vector<16xf32>,
        %sub3A_284 = arith.subf %get3A_202, %add3A_229 : vector<16xf32>
        %mul3A_285 = arith.mulf %sub3A_284, %mul3A_269 : vector<16xf32>
        %mul3A_286 = arith.mulf %mul3A_285, %get3A_7 : vector<16xf32>
        %add3A_287 = arith.addf %mul3A_286, %get3A_15 : vector<16xf32>
        %swap3A_288 = arith.index_cast %add3A_193 : i32 to index
        %swap3A_289 = arith.constant 32 : index
        %swap3A_290 = tpu.vector_load %arg9[%swap3A_288, %swap3A_289] {strides = array<i32>} : memref<128x64xf32, #tpu.memory_space<vmem>>, vector<16xf32>,
        tpu.vector_store %arg9[%swap3A_288, %swap3A_289], %add3A_287 {strides = array<i32>} : memref<128x64xf32, #tpu.memory_space<vmem>>, vector<16xf32>,
        %sub3A_291 = arith.subf %get3A_205, %add3A_229 : vector<16xf32>
        %mul3A_292 = arith.mulf %sub3A_291, %mul3A_269 : vector<16xf32>
        %mul3A_293 = arith.mulf %mul3A_292, %get3A_9 : vector<16xf32>
        %add3A_294 = arith.addf %mul3A_293, %get3A_17 : vector<16xf32>
        %swap3A_295 = arith.index_cast %add3A_193 : i32 to index
        %swap3A_296 = arith.constant 48 : index
        %swap3A_297 = tpu.vector_load %arg9[%swap3A_295, %swap3A_296] {strides = array<i32>} : memref<128x64xf32, #tpu.memory_space<vmem>>, vector<16xf32>,
        tpu.vector_store %arg9[%swap3A_295, %swap3A_296], %add3A_294 {strides = array<i32>} : memref<128x64xf32, #tpu.memory_space<vmem>>, vector<16xf32>,
        %mul3A_298 = arith.constant 4 : i32
        %mul3A_299 = arith.muli %scan3A_86, %mul3A_298 : i32
        %add3A_300 = arith.constant 2 : i32
        %add3A_301 = arith.addi %mul3A_299, %add3A_300 : i32
        %get3A_302 = arith.index_cast %add3A_301 : i32 to index
        %get3A_303 = arith.constant 0 : index
        %get3A_304 = tpu.vector_load %arg9[%get3A_302, %get3A_303] {strides = array<i32>} : memref<128x64xf32, #tpu.memory_space<vmem>>, vector<16xf32>,
        %get3A_305 = arith.index_cast %add3A_301 : i32 to index
        %get3A_306 = arith.constant 16 : index
        %get3A_307 = tpu.vector_load %arg9[%get3A_305, %get3A_306] {strides = array<i32>} : memref<128x64xf32, #tpu.memory_space<vmem>>, vector<16xf32>,
        %get3A_308 = arith.index_cast %add3A_301 : i32 to index
        %get3A_309 = arith.constant 32 : index
        %get3A_310 = tpu.vector_load %arg9[%get3A_308, %get3A_309] {strides = array<i32>} : memref<128x64xf32, #tpu.memory_space<vmem>>, vector<16xf32>,
        %get3A_311 = arith.index_cast %add3A_301 : i32 to index
        %get3A_312 = arith.constant 48 : index
        %get3A_313 = tpu.vector_load %arg9[%get3A_311, %get3A_312] {strides = array<i32>} : memref<128x64xf32, #tpu.memory_space<vmem>>, vector<16xf32>,
        %add3A_314 = arith.addf %get3A_304, %get3A_307 : vector<16xf32>
        %add3A_315 = arith.addf %get3A_310, %get3A_313 : vector<16xf32>
        %add3A_316 = arith.addf %add3A_314, %add3A_315 : vector<16xf32>
        %mul3A_317 = arith.mulf %get3A_304, %get3A_304 : vector<16xf32>
        %mul3A_318 = arith.mulf %get3A_307, %get3A_307 : vector<16xf32>
        %add3A_319 = arith.addf %mul3A_317, %mul3A_318 : vector<16xf32>
        %mul3A_320 = arith.mulf %get3A_310, %get3A_310 : vector<16xf32>
        %mul3A_321 = arith.mulf %get3A_313, %get3A_313 : vector<16xf32>
        %add3A_322 = arith.addf %mul3A_320, %mul3A_321 : vector<16xf32>
        %add3A_323 = arith.addf %add3A_319, %add3A_322 : vector<16xf32>
        %reduce_sum3A_324 = arith.constant true
        %reduce_sum3A_325 = vector.broadcast %reduce_sum3A_324 : i1 to vector<16xi1>
        %reduce_sum3A_326 = tpu.scan <sum>, %add3A_316 masked %reduce_sum3A_325 : vector<16xf32>, vector<16xi1> -> vector<16xf32>
        %reduce_sum3A_327 = vector.extract %reduce_sum3A_326[15] : f32 from vector<16xf32>
        %reduce_sum3A_328 = arith.constant true
        %reduce_sum3A_329 = vector.broadcast %reduce_sum3A_328 : i1 to vector<16xi1>
        %reduce_sum3A_330 = tpu.scan <sum>, %add3A_323 masked %reduce_sum3A_329 : vector<16xf32>, vector<16xi1> -> vector<16xf32>
        %reduce_sum3A_331 = vector.extract %reduce_sum3A_330[15] : f32 from vector<16xf32>
        %broadcast_in_dim3A_332 = arith.constant 0.000000e+00 : f32
        %broadcast_in_dim3A_333 = vector.broadcast %broadcast_in_dim3A_332 : f32 to vector<16xf32>
        %mul3A_334 = arith.constant 1.562500e-02 : f32
        %mul3A_335 = arith.mulf %reduce_sum3A_327, %mul3A_334 : f32
        %add3A_336 = vector.broadcast %mul3A_335 : f32 to vector<16xf32>
        %add3A_337 = arith.addf %broadcast_in_dim3A_333, %add3A_336 : vector<16xf32>
        %broadcast_in_dim3A_338 = arith.constant 0.000000e+00 : f32
        %broadcast_in_dim3A_339 = vector.broadcast %broadcast_in_dim3A_338 : f32 to vector<16xf32>
        %mul3A_340 = arith.constant 1.562500e-02 : f32
        %mul3A_341 = arith.mulf %reduce_sum3A_331, %mul3A_340 : f32
        %add3A_342 = vector.broadcast %mul3A_341 : f32 to vector<16xf32>
        %add3A_343 = arith.addf %broadcast_in_dim3A_339, %add3A_342 : vector<16xf32>
        %mul3A_344 = arith.mulf %add3A_337, %add3A_337 : vector<16xf32>
        %sub3A_345 = arith.subf %add3A_343, %mul3A_344 : vector<16xf32>
        %add3A_346 = arith.constant 9.99999974E-6 : f32
        %add3A_347 = vector.broadcast %add3A_346 : f32 to vector<16xf32>
        %add3A_348 = arith.addf %sub3A_345, %add3A_347 : vector<16xf32>
        %mul3A_349 = arith.constant 5.000000e-01 : f32
        %mul3A_350 = vector.broadcast %mul3A_349 : f32 to vector<16xf32>
        %mul3A_351 = arith.mulf %add3A_348, %mul3A_350 : vector<16xf32>
        %bitcast_convert_type3A_352 = tpu.bitcast %add3A_348 : vector<16xf32> -> vector<16xi32>
        %shift_right_arithmetic3A_353 = arith.constant 1 : i32
        %shift_right_arithmetic3A_354 = vector.broadcast %shift_right_arithmetic3A_353 : i32 to vector<16xi32>
        %shift_right_arithmetic3A_355 = arith.shrsi %bitcast_convert_type3A_352, %shift_right_arithmetic3A_354 : vector<16xi32>
        %sub3A_356 = arith.constant 1597463007 : i32
        %sub3A_357 = vector.broadcast %sub3A_356 : i32 to vector<16xi32>
        %sub3A_358 = arith.subi %sub3A_357, %shift_right_arithmetic3A_355 : vector<16xi32>
        %bitcast_convert_type3A_359 = tpu.bitcast %sub3A_358 : vector<16xi32> -> vector<16xf32>
        %mul3A_360 = arith.mulf %mul3A_351, %bitcast_convert_type3A_359 : vector<16xf32>
        %mul3A_361 = arith.mulf %mul3A_360, %bitcast_convert_type3A_359 : vector<16xf32>
        %sub3A_362 = arith.constant 1.500000e+00 : f32
        %sub3A_363 = vector.broadcast %sub3A_362 : f32 to vector<16xf32>
        %sub3A_364 = arith.subf %sub3A_363, %mul3A_361 : vector<16xf32>
        %mul3A_365 = arith.mulf %bitcast_convert_type3A_359, %sub3A_364 : vector<16xf32>
        %mul3A_366 = arith.mulf %mul3A_351, %mul3A_365 : vector<16xf32>
        %mul3A_367 = arith.mulf %mul3A_366, %mul3A_365 : vector<16xf32>
        %sub3A_368 = arith.constant 1.500000e+00 : f32
        %sub3A_369 = vector.broadcast %sub3A_368 : f32 to vector<16xf32>
        %sub3A_370 = arith.subf %sub3A_369, %mul3A_367 : vector<16xf32>
        %mul3A_371 = arith.mulf %mul3A_365, %sub3A_370 : vector<16xf32>
        %mul3A_372 = arith.mulf %mul3A_351, %mul3A_371 : vector<16xf32>
        %mul3A_373 = arith.mulf %mul3A_372, %mul3A_371 : vector<16xf32>
        %sub3A_374 = arith.constant 1.500000e+00 : f32
        %sub3A_375 = vector.broadcast %sub3A_374 : f32 to vector<16xf32>
        %sub3A_376 = arith.subf %sub3A_375, %mul3A_373 : vector<16xf32>
        %mul3A_377 = arith.mulf %mul3A_371, %sub3A_376 : vector<16xf32>
        %sub3A_378 = arith.subf %get3A_304, %add3A_337 : vector<16xf32>
        %mul3A_379 = arith.mulf %sub3A_378, %mul3A_377 : vector<16xf32>
        %mul3A_380 = arith.mulf %mul3A_379, %get3A_3 : vector<16xf32>
        %add3A_381 = arith.addf %mul3A_380, %get3A_11 : vector<16xf32>
        %swap3A_382 = arith.index_cast %add3A_301 : i32 to index
        %swap3A_383 = arith.constant 0 : index
        %swap3A_384 = tpu.vector_load %arg9[%swap3A_382, %swap3A_383] {strides = array<i32>} : memref<128x64xf32, #tpu.memory_space<vmem>>, vector<16xf32>,
        tpu.vector_store %arg9[%swap3A_382, %swap3A_383], %add3A_381 {strides = array<i32>} : memref<128x64xf32, #tpu.memory_space<vmem>>, vector<16xf32>,
        %sub3A_385 = arith.subf %get3A_307, %add3A_337 : vector<16xf32>
        %mul3A_386 = arith.mulf %sub3A_385, %mul3A_377 : vector<16xf32>
        %mul3A_387 = arith.mulf %mul3A_386, %get3A_5 : vector<16xf32>
        %add3A_388 = arith.addf %mul3A_387, %get3A_13 : vector<16xf32>
        %swap3A_389 = arith.index_cast %add3A_301 : i32 to index
        %swap3A_390 = arith.constant 16 : index
        %swap3A_391 = tpu.vector_load %arg9[%swap3A_389, %swap3A_390] {strides = array<i32>} : memref<128x64xf32, #tpu.memory_space<vmem>>, vector<16xf32>,
        tpu.vector_store %arg9[%swap3A_389, %swap3A_390], %add3A_388 {strides = array<i32>} : memref<128x64xf32, #tpu.memory_space<vmem>>, vector<16xf32>,
        %sub3A_392 = arith.subf %get3A_310, %add3A_337 : vector<16xf32>
        %mul3A_393 = arith.mulf %sub3A_392, %mul3A_377 : vector<16xf32>
        %mul3A_394 = arith.mulf %mul3A_393, %get3A_7 : vector<16xf32>
        %add3A_395 = arith.addf %mul3A_394, %get3A_15 : vector<16xf32>
        %swap3A_396 = arith.index_cast %add3A_301 : i32 to index
        %swap3A_397 = arith.constant 32 : index
        %swap3A_398 = tpu.vector_load %arg9[%swap3A_396, %swap3A_397] {strides = array<i32>} : memref<128x64xf32, #tpu.memory_space<vmem>>, vector<16xf32>,
        tpu.vector_store %arg9[%swap3A_396, %swap3A_397], %add3A_395 {strides = array<i32>} : memref<128x64xf32, #tpu.memory_space<vmem>>, vector<16xf32>,
        %sub3A_399 = arith.subf %get3A_313, %add3A_337 : vector<16xf32>
        %mul3A_400 = arith.mulf %sub3A_399, %mul3A_377 : vector<16xf32>
        %mul3A_401 = arith.mulf %mul3A_400, %get3A_9 : vector<16xf32>
        %add3A_402 = arith.addf %mul3A_401, %get3A_17 : vector<16xf32>
        %swap3A_403 = arith.index_cast %add3A_301 : i32 to index
        %swap3A_404 = arith.constant 48 : index
        %swap3A_405 = tpu.vector_load %arg9[%swap3A_403, %swap3A_404] {strides = array<i32>} : memref<128x64xf32, #tpu.memory_space<vmem>>, vector<16xf32>,
        tpu.vector_store %arg9[%swap3A_403, %swap3A_404], %add3A_402 {strides = array<i32>} : memref<128x64xf32, #tpu.memory_space<vmem>>, vector<16xf32>,
        %mul3A_406 = arith.constant 4 : i32
        %mul3A_407 = arith.muli %scan3A_86, %mul3A_406 : i32
        %add3A_408 = arith.constant 3 : i32
        %add3A_409 = arith.addi %mul3A_407, %add3A_408 : i32
        %get3A_410 = arith.index_cast %add3A_409 : i32 to index
        %get3A_411 = arith.constant 0 : index
        %get3A_412 = tpu.vector_load %arg9[%get3A_410, %get3A_411] {strides = array<i32>} : memref<128x64xf32, #tpu.memory_space<vmem>>, vector<16xf32>,
        %get3A_413 = arith.index_cast %add3A_409 : i32 to index
        %get3A_414 = arith.constant 16 : index
        %get3A_415 = tpu.vector_load %arg9[%get3A_413, %get3A_414] {strides = array<i32>} : memref<128x64xf32, #tpu.memory_space<vmem>>, vector<16xf32>,
        %get3A_416 = arith.index_cast %add3A_409 : i32 to index
        %get3A_417 = arith.constant 32 : index
        %get3A_418 = tpu.vector_load %arg9[%get3A_416, %get3A_417] {strides = array<i32>} : memref<128x64xf32, #tpu.memory_space<vmem>>, vector<16xf32>,
        %get3A_419 = arith.index_cast %add3A_409 : i32 to index
        %get3A_420 = arith.constant 48 : index
        %get3A_421 = tpu.vector_load %arg9[%get3A_419, %get3A_420] {strides = array<i32>} : memref<128x64xf32, #tpu.memory_space<vmem>>, vector<16xf32>,
        %add3A_422 = arith.addf %get3A_412, %get3A_415 : vector<16xf32>
        %add3A_423 = arith.addf %get3A_418, %get3A_421 : vector<16xf32>
        %add3A_424 = arith.addf %add3A_422, %add3A_423 : vector<16xf32>
        %mul3A_425 = arith.mulf %get3A_412, %get3A_412 : vector<16xf32>
        %mul3A_426 = arith.mulf %get3A_415, %get3A_415 : vector<16xf32>
        %add3A_427 = arith.addf %mul3A_425, %mul3A_426 : vector<16xf32>
        %mul3A_428 = arith.mulf %get3A_418, %get3A_418 : vector<16xf32>
        %mul3A_429 = arith.mulf %get3A_421, %get3A_421 : vector<16xf32>
        %add3A_430 = arith.addf %mul3A_428, %mul3A_429 : vector<16xf32>
        %add3A_431 = arith.addf %add3A_427, %add3A_430 : vector<16xf32>
        %reduce_sum3A_432 = arith.constant true
        %reduce_sum3A_433 = vector.broadcast %reduce_sum3A_432 : i1 to vector<16xi1>
        %reduce_sum3A_434 = tpu.scan <sum>, %add3A_424 masked %reduce_sum3A_433 : vector<16xf32>, vector<16xi1> -> vector<16xf32>
        %reduce_sum3A_435 = vector.extract %reduce_sum3A_434[15] : f32 from vector<16xf32>
        %reduce_sum3A_436 = arith.constant true
        %reduce_sum3A_437 = vector.broadcast %reduce_sum3A_436 : i1 to vector<16xi1>
        %reduce_sum3A_438 = tpu.scan <sum>, %add3A_431 masked %reduce_sum3A_437 : vector<16xf32>, vector<16xi1> -> vector<16xf32>
        %reduce_sum3A_439 = vector.extract %reduce_sum3A_438[15] : f32 from vector<16xf32>
        %broadcast_in_dim3A_440 = arith.constant 0.000000e+00 : f32
        %broadcast_in_dim3A_441 = vector.broadcast %broadcast_in_dim3A_440 : f32 to vector<16xf32>
        %mul3A_442 = arith.constant 1.562500e-02 : f32
        %mul3A_443 = arith.mulf %reduce_sum3A_435, %mul3A_442 : f32
        %add3A_444 = vector.broadcast %mul3A_443 : f32 to vector<16xf32>
        %add3A_445 = arith.addf %broadcast_in_dim3A_441, %add3A_444 : vector<16xf32>
        %broadcast_in_dim3A_446 = arith.constant 0.000000e+00 : f32
        %broadcast_in_dim3A_447 = vector.broadcast %broadcast_in_dim3A_446 : f32 to vector<16xf32>
        %mul3A_448 = arith.constant 1.562500e-02 : f32
        %mul3A_449 = arith.mulf %reduce_sum3A_439, %mul3A_448 : f32
        %add3A_450 = vector.broadcast %mul3A_449 : f32 to vector<16xf32>
        %add3A_451 = arith.addf %broadcast_in_dim3A_447, %add3A_450 : vector<16xf32>
        %mul3A_452 = arith.mulf %add3A_445, %add3A_445 : vector<16xf32>
        %sub3A_453 = arith.subf %add3A_451, %mul3A_452 : vector<16xf32>
        %add3A_454 = arith.constant 9.99999974E-6 : f32
        %add3A_455 = vector.broadcast %add3A_454 : f32 to vector<16xf32>
        %add3A_456 = arith.addf %sub3A_453, %add3A_455 : vector<16xf32>
        %mul3A_457 = arith.constant 5.000000e-01 : f32
        %mul3A_458 = vector.broadcast %mul3A_457 : f32 to vector<16xf32>
        %mul3A_459 = arith.mulf %add3A_456, %mul3A_458 : vector<16xf32>
        %bitcast_convert_type3A_460 = tpu.bitcast %add3A_456 : vector<16xf32> -> vector<16xi32>
        %shift_right_arithmetic3A_461 = arith.constant 1 : i32
        %shift_right_arithmetic3A_462 = vector.broadcast %shift_right_arithmetic3A_461 : i32 to vector<16xi32>
        %shift_right_arithmetic3A_463 = arith.shrsi %bitcast_convert_type3A_460, %shift_right_arithmetic3A_462 : vector<16xi32>
        %sub3A_464 = arith.constant 1597463007 : i32
        %sub3A_465 = vector.broadcast %sub3A_464 : i32 to vector<16xi32>
        %sub3A_466 = arith.subi %sub3A_465, %shift_right_arithmetic3A_463 : vector<16xi32>
        %bitcast_convert_type3A_467 = tpu.bitcast %sub3A_466 : vector<16xi32> -> vector<16xf32>
        %mul3A_468 = arith.mulf %mul3A_459, %bitcast_convert_type3A_467 : vector<16xf32>
        %mul3A_469 = arith.mulf %mul3A_468, %bitcast_convert_type3A_467 : vector<16xf32>
        %sub3A_470 = arith.constant 1.500000e+00 : f32
        %sub3A_471 = vector.broadcast %sub3A_470 : f32 to vector<16xf32>
        %sub3A_472 = arith.subf %sub3A_471, %mul3A_469 : vector<16xf32>
        %mul3A_473 = arith.mulf %bitcast_convert_type3A_467, %sub3A_472 : vector<16xf32>
        %mul3A_474 = arith.mulf %mul3A_459, %mul3A_473 : vector<16xf32>
        %mul3A_475 = arith.mulf %mul3A_474, %mul3A_473 : vector<16xf32>
        %sub3A_476 = arith.constant 1.500000e+00 : f32
        %sub3A_477 = vector.broadcast %sub3A_476 : f32 to vector<16xf32>
        %sub3A_478 = arith.subf %sub3A_477, %mul3A_475 : vector<16xf32>
        %mul3A_479 = arith.mulf %mul3A_473, %sub3A_478 : vector<16xf32>
        %mul3A_480 = arith.mulf %mul3A_459, %mul3A_479 : vector<16xf32>
        %mul3A_481 = arith.mulf %mul3A_480, %mul3A_479 : vector<16xf32>
        %sub3A_482 = arith.constant 1.500000e+00 : f32
        %sub3A_483 = vector.broadcast %sub3A_482 : f32 to vector<16xf32>
        %sub3A_484 = arith.subf %sub3A_483, %mul3A_481 : vector<16xf32>
        %mul3A_485 = arith.mulf %mul3A_479, %sub3A_484 : vector<16xf32>
        %sub3A_486 = arith.subf %get3A_412, %add3A_445 : vector<16xf32>
        %mul3A_487 = arith.mulf %sub3A_486, %mul3A_485 : vector<16xf32>
        %mul3A_488 = arith.mulf %mul3A_487, %get3A_3 : vector<16xf32>
        %add3A_489 = arith.addf %mul3A_488, %get3A_11 : vector<16xf32>
        %swap3A_490 = arith.index_cast %add3A_409 : i32 to index
        %swap3A_491 = arith.constant 0 : index
        %swap3A_492 = tpu.vector_load %arg9[%swap3A_490, %swap3A_491] {strides = array<i32>} : memref<128x64xf32, #tpu.memory_space<vmem>>, vector<16xf32>,
        tpu.vector_store %arg9[%swap3A_490, %swap3A_491], %add3A_489 {strides = array<i32>} : memref<128x64xf32, #tpu.memory_space<vmem>>, vector<16xf32>,
        %sub3A_493 = arith.subf %get3A_415, %add3A_445 : vector<16xf32>
        %mul3A_494 = arith.mulf %sub3A_493, %mul3A_485 : vector<16xf32>
        %mul3A_495 = arith.mulf %mul3A_494, %get3A_5 : vector<16xf32>
        %add3A_496 = arith.addf %mul3A_495, %get3A_13 : vector<16xf32>
        %swap3A_497 = arith.index_cast %add3A_409 : i32 to index
        %swap3A_498 = arith.constant 16 : index
        %swap3A_499 = tpu.vector_load %arg9[%swap3A_497, %swap3A_498] {strides = array<i32>} : memref<128x64xf32, #tpu.memory_space<vmem>>, vector<16xf32>,
        tpu.vector_store %arg9[%swap3A_497, %swap3A_498], %add3A_496 {strides = array<i32>} : memref<128x64xf32, #tpu.memory_space<vmem>>, vector<16xf32>,
        %sub3A_500 = arith.subf %get3A_418, %add3A_445 : vector<16xf32>
        %mul3A_501 = arith.mulf %sub3A_500, %mul3A_485 : vector<16xf32>
        %mul3A_502 = arith.mulf %mul3A_501, %get3A_7 : vector<16xf32>
        %add3A_503 = arith.addf %mul3A_502, %get3A_15 : vector<16xf32>
        %swap3A_504 = arith.index_cast %add3A_409 : i32 to index
        %swap3A_505 = arith.constant 32 : index
        %swap3A_506 = tpu.vector_load %arg9[%swap3A_504, %swap3A_505] {strides = array<i32>} : memref<128x64xf32, #tpu.memory_space<vmem>>, vector<16xf32>,
        tpu.vector_store %arg9[%swap3A_504, %swap3A_505], %add3A_503 {strides = array<i32>} : memref<128x64xf32, #tpu.memory_space<vmem>>, vector<16xf32>,
        %sub3A_507 = arith.subf %get3A_421, %add3A_445 : vector<16xf32>
        %mul3A_508 = arith.mulf %sub3A_507, %mul3A_485 : vector<16xf32>
        %mul3A_509 = arith.mulf %mul3A_508, %get3A_9 : vector<16xf32>
        %add3A_510 = arith.addf %mul3A_509, %get3A_17 : vector<16xf32>
        %swap3A_511 = arith.index_cast %add3A_409 : i32 to index
        %swap3A_512 = arith.constant 48 : index
        %swap3A_513 = tpu.vector_load %arg9[%swap3A_511, %swap3A_512] {strides = array<i32>} : memref<128x64xf32, #tpu.memory_space<vmem>>, vector<16xf32>,
        tpu.vector_store %arg9[%swap3A_511, %swap3A_512], %add3A_510 {strides = array<i32>} : memref<128x64xf32, #tpu.memory_space<vmem>>, vector<16xf32>,
        %scan3A_514 = arith.constant 0 : i32
        scf.yield %scan3A_514 : i32
      }
      %scan3A_62 = arith.constant 32 : i32
      %dma_start3A_63 = arith.constant 0 : i32
      %dma_start3A_64 = tpu.memref_slice %arg6[%add3A_43, %dma_start3A_63] : memref<819200x64xf32, #tpu.memory_space<hbm>> -> memref<128x64xf32, #tpu.memory_space<hbm>>
      %dma_start3A_65 = arith.constant 0 : i32
      %dma_start3A_66 = tpu.memref_slice %arg6[%add3A_43, %dma_start3A_65] : memref<819200x64xf32, #tpu.memory_space<hbm>> -> memref<128x64xf32, #tpu.memory_space<hbm>>
      tpu.enqueue_dma source(%arg9 : memref<128x64xf32, #tpu.memory_space<vmem>>) target(%dma_start3A_66 : memref<128x64xf32, #tpu.memory_space<hbm>>) target_semaphore(%arg15 : memref<!tpu.dma_semaphore, #tpu.memory_space<semaphore_mem>>)
      %lt3A = arith.constant 99 : i32
      %lt3A_67 = arith.cmpi slt, %scan3A_37, %lt3A : i32
      %convert_element_type3A_68 = arith.extui %lt3A_67 : i1 to i32
      %cond3A_69 = arith.constant 0 : i32
      %cond3A_70 = arith.cmpi ne, %convert_element_type3A_68, %cond3A_69 : i32
      scf.if %cond3A_70 {
        %dma_wait3A_86 = arith.constant 0 : i32
        %dma_wait3A_87 = tpu.memref_slice %arg6[%add3A_43, %dma_wait3A_86] : memref<819200x64xf32, #tpu.memory_space<hbm>> -> memref<128x64xf32, #tpu.memory_space<hbm>>
        %dma_wait3A_88 = arith.constant 0 : i32
        %dma_wait3A_89 = tpu.memref_slice %arg6[%add3A_43, %dma_wait3A_88] : memref<819200x64xf32, #tpu.memory_space<hbm>> -> memref<128x64xf32, #tpu.memory_space<hbm>>
        tpu.wait_dma2 semaphore(%arg15 : memref<!tpu.dma_semaphore, #tpu.memory_space<semaphore_mem>>) src(%arg9 : memref<128x64xf32, #tpu.memory_space<vmem>>) dst(%dma_wait3A_89 : memref<128x64xf32, #tpu.memory_space<hbm>>)
        "tpu.region"() ({
          %run_scoped3A = tpu.sem_alloc : memref<!tpu.dma_semaphore, #tpu.memory_space<semaphore_mem>>
          %dma_start3A_93 = tpu.memref_slice %arg2[%add3A_47] : memref<819200xi32, #tpu.memory_space<hbm>> -> memref<128xi32, #tpu.memory_space<hbm>>
          %dma_start3A_94 = tpu.memref_slice %arg2[%add3A_47] : memref<819200xi32, #tpu.memory_space<hbm>> -> memref<128xi32, #tpu.memory_space<hbm>>
          tpu.enqueue_dma source(%dma_start3A_94 : memref<128xi32, #tpu.memory_space<hbm>>) target(%arg7 : memref<128xi32, #tpu.memory_space<vmem>>) target_semaphore(%run_scoped3A : memref<!tpu.dma_semaphore, #tpu.memory_space<semaphore_mem>>)
          %dma_wait3A_95 = tpu.memref_slice %arg2[%add3A_47] : memref<819200xi32, #tpu.memory_space<hbm>> -> memref<128xi32, #tpu.memory_space<hbm>>
          %dma_wait3A_96 = tpu.memref_slice %arg2[%add3A_47] : memref<819200xi32, #tpu.memory_space<hbm>> -> memref<128xi32, #tpu.memory_space<hbm>>
          tpu.wait_dma2 semaphore(%run_scoped3A : memref<!tpu.dma_semaphore, #tpu.memory_space<semaphore_mem>>) src(%dma_wait3A_96 : memref<128xi32, #tpu.memory_space<hbm>>) dst(%arg7 : memref<128xi32, #tpu.memory_space<vmem>>)
          tpu.yield
        }) : () -> ()
        %dma_start3A_90 = arith.constant 0 : i32
        %dma_start3A_91 = arith.constant 0 : i32
        %dma_start3A_92 = tpu.memref_slice %arg3[%dma_start3A_90, %dma_start3A_91] : memref<1000000x64xf32, #tpu.memory_space<hbm>> -> memref<1000000x64xf32, #tpu.memory_space<hbm>>
        tpu.enqueue_indirect_dma source(%dma_start3A_92 : memref<1000000x64xf32, #tpu.memory_space<hbm>>) target(%arg9 : memref<128x64xf32, #tpu.memory_space<vmem>>) offsets(%arg7 : memref<128xi32, #tpu.memory_space<vmem>>) semaphore(%arg13 : memref<!tpu.dma_semaphore, #tpu.memory_space<semaphore_mem>>)
      } else {
      }
      %dma_wait3A_71 = arith.constant 0 : i32
      %dma_wait3A_72 = arith.constant 0 : i32
      %dma_wait3A_73 = tpu.memref_slice %arg3[%dma_wait3A_71, %dma_wait3A_72] : memref<1000000x64xf32, #tpu.memory_space<hbm>> -> memref<1000000x64xf32, #tpu.memory_space<hbm>>
      tpu.wait_indirect_dma semaphore(%arg14 : memref<!tpu.dma_semaphore, #tpu.memory_space<semaphore_mem>>) src(%dma_wait3A_73 : memref<1000000x64xf32, #tpu.memory_space<hbm>>) dst(%arg10 : memref<128x64xf32, #tpu.memory_space<vmem>>)
      %scan3A_74 = arith.constant 0 : i32
      %scan3A_75 = arith.constant 0 : i32
      %scan3A_76 = arith.constant 32 : i32
      %scan3A_77 = arith.addi %scan3A_75, %scan3A_76 : i32
      %scan3A_78 = arith.constant 1 : i32
      %scan3A_79 = scf.for %scan3A_86 = %scan3A_75 to %scan3A_77 step %scan3A_78 iter_args(%scan3A_87 = %scan3A_74) -> (i32)  : i32 {
        %mul3A_88 = arith.constant 4 : i32
        %mul3A_89 = arith.muli %scan3A_86, %mul3A_88 : i32
        %add3A_90 = arith.constant 0 : i32
        %add3A_91 = arith.addi %mul3A_89, %add3A_90 : i32
        %get3A_92 = arith.index_cast %add3A_91 : i32 to index
        %get3A_93 = arith.constant 0 : index
        %get3A_94 = tpu.vector_load %arg10[%get3A_92, %get3A_93] {strides = array<i32>} : memref<128x64xf32, #tpu.memory_space<vmem>>, vector<16xf32>,
        %get3A_95 = arith.index_cast %add3A_91 : i32 to index
        %get3A_96 = arith.constant 16 : index
        %get3A_97 = tpu.vector_load %arg10[%get3A_95, %get3A_96] {strides = array<i32>} : memref<128x64xf32, #tpu.memory_space<vmem>>, vector<16xf32>,
        %get3A_98 = arith.index_cast %add3A_91 : i32 to index
        %get3A_99 = arith.constant 32 : index
        %get3A_100 = tpu.vector_load %arg10[%get3A_98, %get3A_99] {strides = array<i32>} : memref<128x64xf32, #tpu.memory_space<vmem>>, vector<16xf32>,
        %get3A_101 = arith.index_cast %add3A_91 : i32 to index
        %get3A_102 = arith.constant 48 : index
        %get3A_103 = tpu.vector_load %arg10[%get3A_101, %get3A_102] {strides = array<i32>} : memref<128x64xf32, #tpu.memory_space<vmem>>, vector<16xf32>,
        %add3A_104 = arith.addf %get3A_94, %get3A_97 : vector<16xf32>
        %add3A_105 = arith.addf %get3A_100, %get3A_103 : vector<16xf32>
        %add3A_106 = arith.addf %add3A_104, %add3A_105 : vector<16xf32>
        %mul3A_107 = arith.mulf %get3A_94, %get3A_94 : vector<16xf32>
        %mul3A_108 = arith.mulf %get3A_97, %get3A_97 : vector<16xf32>
        %add3A_109 = arith.addf %mul3A_107, %mul3A_108 : vector<16xf32>
        %mul3A_110 = arith.mulf %get3A_100, %get3A_100 : vector<16xf32>
        %mul3A_111 = arith.mulf %get3A_103, %get3A_103 : vector<16xf32>
        %add3A_112 = arith.addf %mul3A_110, %mul3A_111 : vector<16xf32>
        %add3A_113 = arith.addf %add3A_109, %add3A_112 : vector<16xf32>
        %reduce_sum3A = arith.constant true
        %reduce_sum3A_114 = vector.broadcast %reduce_sum3A : i1 to vector<16xi1>
        %reduce_sum3A_115 = tpu.scan <sum>, %add3A_106 masked %reduce_sum3A_114 : vector<16xf32>, vector<16xi1> -> vector<16xf32>
        %reduce_sum3A_116 = vector.extract %reduce_sum3A_115[15] : f32 from vector<16xf32>
        %reduce_sum3A_117 = arith.constant true
        %reduce_sum3A_118 = vector.broadcast %reduce_sum3A_117 : i1 to vector<16xi1>
        %reduce_sum3A_119 = tpu.scan <sum>, %add3A_113 masked %reduce_sum3A_118 : vector<16xf32>, vector<16xi1> -> vector<16xf32>
        %reduce_sum3A_120 = vector.extract %reduce_sum3A_119[15] : f32 from vector<16xf32>
        %broadcast_in_dim3A = arith.constant 0.000000e+00 : f32
        %broadcast_in_dim3A_121 = vector.broadcast %broadcast_in_dim3A : f32 to vector<16xf32>
        %mul3A_122 = arith.constant 1.562500e-02 : f32
        %mul3A_123 = arith.mulf %reduce_sum3A_116, %mul3A_122 : f32
        %add3A_124 = vector.broadcast %mul3A_123 : f32 to vector<16xf32>
        %add3A_125 = arith.addf %broadcast_in_dim3A_121, %add3A_124 : vector<16xf32>
        %broadcast_in_dim3A_126 = arith.constant 0.000000e+00 : f32
        %broadcast_in_dim3A_127 = vector.broadcast %broadcast_in_dim3A_126 : f32 to vector<16xf32>
        %mul3A_128 = arith.constant 1.562500e-02 : f32
        %mul3A_129 = arith.mulf %reduce_sum3A_120, %mul3A_128 : f32
        %add3A_130 = vector.broadcast %mul3A_129 : f32 to vector<16xf32>
        %add3A_131 = arith.addf %broadcast_in_dim3A_127, %add3A_130 : vector<16xf32>
        %mul3A_132 = arith.mulf %add3A_125, %add3A_125 : vector<16xf32>
        %sub3A = arith.subf %add3A_131, %mul3A_132 : vector<16xf32>
        %add3A_133 = arith.constant 9.99999974E-6 : f32
        %add3A_134 = vector.broadcast %add3A_133 : f32 to vector<16xf32>
        %add3A_135 = arith.addf %sub3A, %add3A_134 : vector<16xf32>
        %mul3A_136 = arith.constant 5.000000e-01 : f32
        %mul3A_137 = vector.broadcast %mul3A_136 : f32 to vector<16xf32>
        %mul3A_138 = arith.mulf %add3A_135, %mul3A_137 : vector<16xf32>
        %bitcast_convert_type3A = tpu.bitcast %add3A_135 : vector<16xf32> -> vector<16xi32>
        %shift_right_arithmetic3A = arith.constant 1 : i32
        %shift_right_arithmetic3A_139 = vector.broadcast %shift_right_arithmetic3A : i32 to vector<16xi32>
        %shift_right_arithmetic3A_140 = arith.shrsi %bitcast_convert_type3A, %shift_right_arithmetic3A_139 : vector<16xi32>
        %sub3A_141 = arith.constant 1597463007 : i32
        %sub3A_142 = vector.broadcast %sub3A_141 : i32 to vector<16xi32>
        %sub3A_143 = arith.subi %sub3A_142, %shift_right_arithmetic3A_140 : vector<16xi32>
        %bitcast_convert_type3A_144 = tpu.bitcast %sub3A_143 : vector<16xi32> -> vector<16xf32>
        %mul3A_145 = arith.mulf %mul3A_138, %bitcast_convert_type3A_144 : vector<16xf32>
        %mul3A_146 = arith.mulf %mul3A_145, %bitcast_convert_type3A_144 : vector<16xf32>
        %sub3A_147 = arith.constant 1.500000e+00 : f32
        %sub3A_148 = vector.broadcast %sub3A_147 : f32 to vector<16xf32>
        %sub3A_149 = arith.subf %sub3A_148, %mul3A_146 : vector<16xf32>
        %mul3A_150 = arith.mulf %bitcast_convert_type3A_144, %sub3A_149 : vector<16xf32>
        %mul3A_151 = arith.mulf %mul3A_138, %mul3A_150 : vector<16xf32>
        %mul3A_152 = arith.mulf %mul3A_151, %mul3A_150 : vector<16xf32>
        %sub3A_153 = arith.constant 1.500000e+00 : f32
        %sub3A_154 = vector.broadcast %sub3A_153 : f32 to vector<16xf32>
        %sub3A_155 = arith.subf %sub3A_154, %mul3A_152 : vector<16xf32>
        %mul3A_156 = arith.mulf %mul3A_150, %sub3A_155 : vector<16xf32>
        %mul3A_157 = arith.mulf %mul3A_138, %mul3A_156 : vector<16xf32>
        %mul3A_158 = arith.mulf %mul3A_157, %mul3A_156 : vector<16xf32>
        %sub3A_159 = arith.constant 1.500000e+00 : f32
        %sub3A_160 = vector.broadcast %sub3A_159 : f32 to vector<16xf32>
        %sub3A_161 = arith.subf %sub3A_160, %mul3A_158 : vector<16xf32>
        %mul3A_162 = arith.mulf %mul3A_156, %sub3A_161 : vector<16xf32>
        %sub3A_163 = arith.subf %get3A_94, %add3A_125 : vector<16xf32>
        %mul3A_164 = arith.mulf %sub3A_163, %mul3A_162 : vector<16xf32>
        %mul3A_165 = arith.mulf %mul3A_164, %get3A_3 : vector<16xf32>
        %add3A_166 = arith.addf %mul3A_165, %get3A_11 : vector<16xf32>
        %swap3A = arith.index_cast %add3A_91 : i32 to index
        %swap3A_167 = arith.constant 0 : index
        %swap3A_168 = tpu.vector_load %arg10[%swap3A, %swap3A_167] {strides = array<i32>} : memref<128x64xf32, #tpu.memory_space<vmem>>, vector<16xf32>,
        tpu.vector_store %arg10[%swap3A, %swap3A_167], %add3A_166 {strides = array<i32>} : memref<128x64xf32, #tpu.memory_space<vmem>>, vector<16xf32>,
        %sub3A_169 = arith.subf %get3A_97, %add3A_125 : vector<16xf32>
        %mul3A_170 = arith.mulf %sub3A_169, %mul3A_162 : vector<16xf32>
        %mul3A_171 = arith.mulf %mul3A_170, %get3A_5 : vector<16xf32>
        %add3A_172 = arith.addf %mul3A_171, %get3A_13 : vector<16xf32>
        %swap3A_173 = arith.index_cast %add3A_91 : i32 to index
        %swap3A_174 = arith.constant 16 : index
        %swap3A_175 = tpu.vector_load %arg10[%swap3A_173, %swap3A_174] {strides = array<i32>} : memref<128x64xf32, #tpu.memory_space<vmem>>, vector<16xf32>,
        tpu.vector_store %arg10[%swap3A_173, %swap3A_174], %add3A_172 {strides = array<i32>} : memref<128x64xf32, #tpu.memory_space<vmem>>, vector<16xf32>,
        %sub3A_176 = arith.subf %get3A_100, %add3A_125 : vector<16xf32>
        %mul3A_177 = arith.mulf %sub3A_176, %mul3A_162 : vector<16xf32>
        %mul3A_178 = arith.mulf %mul3A_177, %get3A_7 : vector<16xf32>
        %add3A_179 = arith.addf %mul3A_178, %get3A_15 : vector<16xf32>
        %swap3A_180 = arith.index_cast %add3A_91 : i32 to index
        %swap3A_181 = arith.constant 32 : index
        %swap3A_182 = tpu.vector_load %arg10[%swap3A_180, %swap3A_181] {strides = array<i32>} : memref<128x64xf32, #tpu.memory_space<vmem>>, vector<16xf32>,
        tpu.vector_store %arg10[%swap3A_180, %swap3A_181], %add3A_179 {strides = array<i32>} : memref<128x64xf32, #tpu.memory_space<vmem>>, vector<16xf32>,
        %sub3A_183 = arith.subf %get3A_103, %add3A_125 : vector<16xf32>
        %mul3A_184 = arith.mulf %sub3A_183, %mul3A_162 : vector<16xf32>
        %mul3A_185 = arith.mulf %mul3A_184, %get3A_9 : vector<16xf32>
        %add3A_186 = arith.addf %mul3A_185, %get3A_17 : vector<16xf32>
        %swap3A_187 = arith.index_cast %add3A_91 : i32 to index
        %swap3A_188 = arith.constant 48 : index
        %swap3A_189 = tpu.vector_load %arg10[%swap3A_187, %swap3A_188] {strides = array<i32>} : memref<128x64xf32, #tpu.memory_space<vmem>>, vector<16xf32>,
        tpu.vector_store %arg10[%swap3A_187, %swap3A_188], %add3A_186 {strides = array<i32>} : memref<128x64xf32, #tpu.memory_space<vmem>>, vector<16xf32>,
        %mul3A_190 = arith.constant 4 : i32
        %mul3A_191 = arith.muli %scan3A_86, %mul3A_190 : i32
        %add3A_192 = arith.constant 1 : i32
        %add3A_193 = arith.addi %mul3A_191, %add3A_192 : i32
        %get3A_194 = arith.index_cast %add3A_193 : i32 to index
        %get3A_195 = arith.constant 0 : index
        %get3A_196 = tpu.vector_load %arg10[%get3A_194, %get3A_195] {strides = array<i32>} : memref<128x64xf32, #tpu.memory_space<vmem>>, vector<16xf32>,
        %get3A_197 = arith.index_cast %add3A_193 : i32 to index
        %get3A_198 = arith.constant 16 : index
        %get3A_199 = tpu.vector_load %arg10[%get3A_197, %get3A_198] {strides = array<i32>} : memref<128x64xf32, #tpu.memory_space<vmem>>, vector<16xf32>,
        %get3A_200 = arith.index_cast %add3A_193 : i32 to index
        %get3A_201 = arith.constant 32 : index
        %get3A_202 = tpu.vector_load %arg10[%get3A_200, %get3A_201] {strides = array<i32>} : memref<128x64xf32, #tpu.memory_space<vmem>>, vector<16xf32>,
        %get3A_203 = arith.index_cast %add3A_193 : i32 to index
        %get3A_204 = arith.constant 48 : index
        %get3A_205 = tpu.vector_load %arg10[%get3A_203, %get3A_204] {strides = array<i32>} : memref<128x64xf32, #tpu.memory_space<vmem>>, vector<16xf32>,
        %add3A_206 = arith.addf %get3A_196, %get3A_199 : vector<16xf32>
        %add3A_207 = arith.addf %get3A_202, %get3A_205 : vector<16xf32>
        %add3A_208 = arith.addf %add3A_206, %add3A_207 : vector<16xf32>
        %mul3A_209 = arith.mulf %get3A_196, %get3A_196 : vector<16xf32>
        %mul3A_210 = arith.mulf %get3A_199, %get3A_199 : vector<16xf32>
        %add3A_211 = arith.addf %mul3A_209, %mul3A_210 : vector<16xf32>
        %mul3A_212 = arith.mulf %get3A_202, %get3A_202 : vector<16xf32>
        %mul3A_213 = arith.mulf %get3A_205, %get3A_205 : vector<16xf32>
        %add3A_214 = arith.addf %mul3A_212, %mul3A_213 : vector<16xf32>
        %add3A_215 = arith.addf %add3A_211, %add3A_214 : vector<16xf32>
        %reduce_sum3A_216 = arith.constant true
        %reduce_sum3A_217 = vector.broadcast %reduce_sum3A_216 : i1 to vector<16xi1>
        %reduce_sum3A_218 = tpu.scan <sum>, %add3A_208 masked %reduce_sum3A_217 : vector<16xf32>, vector<16xi1> -> vector<16xf32>
        %reduce_sum3A_219 = vector.extract %reduce_sum3A_218[15] : f32 from vector<16xf32>
        %reduce_sum3A_220 = arith.constant true
        %reduce_sum3A_221 = vector.broadcast %reduce_sum3A_220 : i1 to vector<16xi1>
        %reduce_sum3A_222 = tpu.scan <sum>, %add3A_215 masked %reduce_sum3A_221 : vector<16xf32>, vector<16xi1> -> vector<16xf32>
        %reduce_sum3A_223 = vector.extract %reduce_sum3A_222[15] : f32 from vector<16xf32>
        %broadcast_in_dim3A_224 = arith.constant 0.000000e+00 : f32
        %broadcast_in_dim3A_225 = vector.broadcast %broadcast_in_dim3A_224 : f32 to vector<16xf32>
        %mul3A_226 = arith.constant 1.562500e-02 : f32
        %mul3A_227 = arith.mulf %reduce_sum3A_219, %mul3A_226 : f32
        %add3A_228 = vector.broadcast %mul3A_227 : f32 to vector<16xf32>
        %add3A_229 = arith.addf %broadcast_in_dim3A_225, %add3A_228 : vector<16xf32>
        %broadcast_in_dim3A_230 = arith.constant 0.000000e+00 : f32
        %broadcast_in_dim3A_231 = vector.broadcast %broadcast_in_dim3A_230 : f32 to vector<16xf32>
        %mul3A_232 = arith.constant 1.562500e-02 : f32
        %mul3A_233 = arith.mulf %reduce_sum3A_223, %mul3A_232 : f32
        %add3A_234 = vector.broadcast %mul3A_233 : f32 to vector<16xf32>
        %add3A_235 = arith.addf %broadcast_in_dim3A_231, %add3A_234 : vector<16xf32>
        %mul3A_236 = arith.mulf %add3A_229, %add3A_229 : vector<16xf32>
        %sub3A_237 = arith.subf %add3A_235, %mul3A_236 : vector<16xf32>
        %add3A_238 = arith.constant 9.99999974E-6 : f32
        %add3A_239 = vector.broadcast %add3A_238 : f32 to vector<16xf32>
        %add3A_240 = arith.addf %sub3A_237, %add3A_239 : vector<16xf32>
        %mul3A_241 = arith.constant 5.000000e-01 : f32
        %mul3A_242 = vector.broadcast %mul3A_241 : f32 to vector<16xf32>
        %mul3A_243 = arith.mulf %add3A_240, %mul3A_242 : vector<16xf32>
        %bitcast_convert_type3A_244 = tpu.bitcast %add3A_240 : vector<16xf32> -> vector<16xi32>
        %shift_right_arithmetic3A_245 = arith.constant 1 : i32
        %shift_right_arithmetic3A_246 = vector.broadcast %shift_right_arithmetic3A_245 : i32 to vector<16xi32>
        %shift_right_arithmetic3A_247 = arith.shrsi %bitcast_convert_type3A_244, %shift_right_arithmetic3A_246 : vector<16xi32>
        %sub3A_248 = arith.constant 1597463007 : i32
        %sub3A_249 = vector.broadcast %sub3A_248 : i32 to vector<16xi32>
        %sub3A_250 = arith.subi %sub3A_249, %shift_right_arithmetic3A_247 : vector<16xi32>
        %bitcast_convert_type3A_251 = tpu.bitcast %sub3A_250 : vector<16xi32> -> vector<16xf32>
        %mul3A_252 = arith.mulf %mul3A_243, %bitcast_convert_type3A_251 : vector<16xf32>
        %mul3A_253 = arith.mulf %mul3A_252, %bitcast_convert_type3A_251 : vector<16xf32>
        %sub3A_254 = arith.constant 1.500000e+00 : f32
        %sub3A_255 = vector.broadcast %sub3A_254 : f32 to vector<16xf32>
        %sub3A_256 = arith.subf %sub3A_255, %mul3A_253 : vector<16xf32>
        %mul3A_257 = arith.mulf %bitcast_convert_type3A_251, %sub3A_256 : vector<16xf32>
        %mul3A_258 = arith.mulf %mul3A_243, %mul3A_257 : vector<16xf32>
        %mul3A_259 = arith.mulf %mul3A_258, %mul3A_257 : vector<16xf32>
        %sub3A_260 = arith.constant 1.500000e+00 : f32
        %sub3A_261 = vector.broadcast %sub3A_260 : f32 to vector<16xf32>
        %sub3A_262 = arith.subf %sub3A_261, %mul3A_259 : vector<16xf32>
        %mul3A_263 = arith.mulf %mul3A_257, %sub3A_262 : vector<16xf32>
        %mul3A_264 = arith.mulf %mul3A_243, %mul3A_263 : vector<16xf32>
        %mul3A_265 = arith.mulf %mul3A_264, %mul3A_263 : vector<16xf32>
        %sub3A_266 = arith.constant 1.500000e+00 : f32
        %sub3A_267 = vector.broadcast %sub3A_266 : f32 to vector<16xf32>
        %sub3A_268 = arith.subf %sub3A_267, %mul3A_265 : vector<16xf32>
        %mul3A_269 = arith.mulf %mul3A_263, %sub3A_268 : vector<16xf32>
        %sub3A_270 = arith.subf %get3A_196, %add3A_229 : vector<16xf32>
        %mul3A_271 = arith.mulf %sub3A_270, %mul3A_269 : vector<16xf32>
        %mul3A_272 = arith.mulf %mul3A_271, %get3A_3 : vector<16xf32>
        %add3A_273 = arith.addf %mul3A_272, %get3A_11 : vector<16xf32>
        %swap3A_274 = arith.index_cast %add3A_193 : i32 to index
        %swap3A_275 = arith.constant 0 : index
        %swap3A_276 = tpu.vector_load %arg10[%swap3A_274, %swap3A_275] {strides = array<i32>} : memref<128x64xf32, #tpu.memory_space<vmem>>, vector<16xf32>,
        tpu.vector_store %arg10[%swap3A_274, %swap3A_275], %add3A_273 {strides = array<i32>} : memref<128x64xf32, #tpu.memory_space<vmem>>, vector<16xf32>,
        %sub3A_277 = arith.subf %get3A_199, %add3A_229 : vector<16xf32>
        %mul3A_278 = arith.mulf %sub3A_277, %mul3A_269 : vector<16xf32>
        %mul3A_279 = arith.mulf %mul3A_278, %get3A_5 : vector<16xf32>
        %add3A_280 = arith.addf %mul3A_279, %get3A_13 : vector<16xf32>
        %swap3A_281 = arith.index_cast %add3A_193 : i32 to index
        %swap3A_282 = arith.constant 16 : index
        %swap3A_283 = tpu.vector_load %arg10[%swap3A_281, %swap3A_282] {strides = array<i32>} : memref<128x64xf32, #tpu.memory_space<vmem>>, vector<16xf32>,
        tpu.vector_store %arg10[%swap3A_281, %swap3A_282], %add3A_280 {strides = array<i32>} : memref<128x64xf32, #tpu.memory_space<vmem>>, vector<16xf32>,
        %sub3A_284 = arith.subf %get3A_202, %add3A_229 : vector<16xf32>
        %mul3A_285 = arith.mulf %sub3A_284, %mul3A_269 : vector<16xf32>
        %mul3A_286 = arith.mulf %mul3A_285, %get3A_7 : vector<16xf32>
        %add3A_287 = arith.addf %mul3A_286, %get3A_15 : vector<16xf32>
        %swap3A_288 = arith.index_cast %add3A_193 : i32 to index
        %swap3A_289 = arith.constant 32 : index
        %swap3A_290 = tpu.vector_load %arg10[%swap3A_288, %swap3A_289] {strides = array<i32>} : memref<128x64xf32, #tpu.memory_space<vmem>>, vector<16xf32>,
        tpu.vector_store %arg10[%swap3A_288, %swap3A_289], %add3A_287 {strides = array<i32>} : memref<128x64xf32, #tpu.memory_space<vmem>>, vector<16xf32>,
        %sub3A_291 = arith.subf %get3A_205, %add3A_229 : vector<16xf32>
        %mul3A_292 = arith.mulf %sub3A_291, %mul3A_269 : vector<16xf32>
        %mul3A_293 = arith.mulf %mul3A_292, %get3A_9 : vector<16xf32>
        %add3A_294 = arith.addf %mul3A_293, %get3A_17 : vector<16xf32>
        %swap3A_295 = arith.index_cast %add3A_193 : i32 to index
        %swap3A_296 = arith.constant 48 : index
        %swap3A_297 = tpu.vector_load %arg10[%swap3A_295, %swap3A_296] {strides = array<i32>} : memref<128x64xf32, #tpu.memory_space<vmem>>, vector<16xf32>,
        tpu.vector_store %arg10[%swap3A_295, %swap3A_296], %add3A_294 {strides = array<i32>} : memref<128x64xf32, #tpu.memory_space<vmem>>, vector<16xf32>,
        %mul3A_298 = arith.constant 4 : i32
        %mul3A_299 = arith.muli %scan3A_86, %mul3A_298 : i32
        %add3A_300 = arith.constant 2 : i32
        %add3A_301 = arith.addi %mul3A_299, %add3A_300 : i32
        %get3A_302 = arith.index_cast %add3A_301 : i32 to index
        %get3A_303 = arith.constant 0 : index
        %get3A_304 = tpu.vector_load %arg10[%get3A_302, %get3A_303] {strides = array<i32>} : memref<128x64xf32, #tpu.memory_space<vmem>>, vector<16xf32>,
        %get3A_305 = arith.index_cast %add3A_301 : i32 to index
        %get3A_306 = arith.constant 16 : index
        %get3A_307 = tpu.vector_load %arg10[%get3A_305, %get3A_306] {strides = array<i32>} : memref<128x64xf32, #tpu.memory_space<vmem>>, vector<16xf32>,
        %get3A_308 = arith.index_cast %add3A_301 : i32 to index
        %get3A_309 = arith.constant 32 : index
        %get3A_310 = tpu.vector_load %arg10[%get3A_308, %get3A_309] {strides = array<i32>} : memref<128x64xf32, #tpu.memory_space<vmem>>, vector<16xf32>,
        %get3A_311 = arith.index_cast %add3A_301 : i32 to index
        %get3A_312 = arith.constant 48 : index
        %get3A_313 = tpu.vector_load %arg10[%get3A_311, %get3A_312] {strides = array<i32>} : memref<128x64xf32, #tpu.memory_space<vmem>>, vector<16xf32>,
        %add3A_314 = arith.addf %get3A_304, %get3A_307 : vector<16xf32>
        %add3A_315 = arith.addf %get3A_310, %get3A_313 : vector<16xf32>
        %add3A_316 = arith.addf %add3A_314, %add3A_315 : vector<16xf32>
        %mul3A_317 = arith.mulf %get3A_304, %get3A_304 : vector<16xf32>
        %mul3A_318 = arith.mulf %get3A_307, %get3A_307 : vector<16xf32>
        %add3A_319 = arith.addf %mul3A_317, %mul3A_318 : vector<16xf32>
        %mul3A_320 = arith.mulf %get3A_310, %get3A_310 : vector<16xf32>
        %mul3A_321 = arith.mulf %get3A_313, %get3A_313 : vector<16xf32>
        %add3A_322 = arith.addf %mul3A_320, %mul3A_321 : vector<16xf32>
        %add3A_323 = arith.addf %add3A_319, %add3A_322 : vector<16xf32>
        %reduce_sum3A_324 = arith.constant true
        %reduce_sum3A_325 = vector.broadcast %reduce_sum3A_324 : i1 to vector<16xi1>
        %reduce_sum3A_326 = tpu.scan <sum>, %add3A_316 masked %reduce_sum3A_325 : vector<16xf32>, vector<16xi1> -> vector<16xf32>
        %reduce_sum3A_327 = vector.extract %reduce_sum3A_326[15] : f32 from vector<16xf32>
        %reduce_sum3A_328 = arith.constant true
        %reduce_sum3A_329 = vector.broadcast %reduce_sum3A_328 : i1 to vector<16xi1>
        %reduce_sum3A_330 = tpu.scan <sum>, %add3A_323 masked %reduce_sum3A_329 : vector<16xf32>, vector<16xi1> -> vector<16xf32>
        %reduce_sum3A_331 = vector.extract %reduce_sum3A_330[15] : f32 from vector<16xf32>
        %broadcast_in_dim3A_332 = arith.constant 0.000000e+00 : f32
        %broadcast_in_dim3A_333 = vector.broadcast %broadcast_in_dim3A_332 : f32 to vector<16xf32>
        %mul3A_334 = arith.constant 1.562500e-02 : f32
        %mul3A_335 = arith.mulf %reduce_sum3A_327, %mul3A_334 : f32
        %add3A_336 = vector.broadcast %mul3A_335 : f32 to vector<16xf32>
        %add3A_337 = arith.addf %broadcast_in_dim3A_333, %add3A_336 : vector<16xf32>
        %broadcast_in_dim3A_338 = arith.constant 0.000000e+00 : f32
        %broadcast_in_dim3A_339 = vector.broadcast %broadcast_in_dim3A_338 : f32 to vector<16xf32>
        %mul3A_340 = arith.constant 1.562500e-02 : f32
        %mul3A_341 = arith.mulf %reduce_sum3A_331, %mul3A_340 : f32
        %add3A_342 = vector.broadcast %mul3A_341 : f32 to vector<16xf32>
        %add3A_343 = arith.addf %broadcast_in_dim3A_339, %add3A_342 : vector<16xf32>
        %mul3A_344 = arith.mulf %add3A_337, %add3A_337 : vector<16xf32>
        %sub3A_345 = arith.subf %add3A_343, %mul3A_344 : vector<16xf32>
        %add3A_346 = arith.constant 9.99999974E-6 : f32
        %add3A_347 = vector.broadcast %add3A_346 : f32 to vector<16xf32>
        %add3A_348 = arith.addf %sub3A_345, %add3A_347 : vector<16xf32>
        %mul3A_349 = arith.constant 5.000000e-01 : f32
        %mul3A_350 = vector.broadcast %mul3A_349 : f32 to vector<16xf32>
        %mul3A_351 = arith.mulf %add3A_348, %mul3A_350 : vector<16xf32>
        %bitcast_convert_type3A_352 = tpu.bitcast %add3A_348 : vector<16xf32> -> vector<16xi32>
        %shift_right_arithmetic3A_353 = arith.constant 1 : i32
        %shift_right_arithmetic3A_354 = vector.broadcast %shift_right_arithmetic3A_353 : i32 to vector<16xi32>
        %shift_right_arithmetic3A_355 = arith.shrsi %bitcast_convert_type3A_352, %shift_right_arithmetic3A_354 : vector<16xi32>
        %sub3A_356 = arith.constant 1597463007 : i32
        %sub3A_357 = vector.broadcast %sub3A_356 : i32 to vector<16xi32>
        %sub3A_358 = arith.subi %sub3A_357, %shift_right_arithmetic3A_355 : vector<16xi32>
        %bitcast_convert_type3A_359 = tpu.bitcast %sub3A_358 : vector<16xi32> -> vector<16xf32>
        %mul3A_360 = arith.mulf %mul3A_351, %bitcast_convert_type3A_359 : vector<16xf32>
        %mul3A_361 = arith.mulf %mul3A_360, %bitcast_convert_type3A_359 : vector<16xf32>
        %sub3A_362 = arith.constant 1.500000e+00 : f32
        %sub3A_363 = vector.broadcast %sub3A_362 : f32 to vector<16xf32>
        %sub3A_364 = arith.subf %sub3A_363, %mul3A_361 : vector<16xf32>
        %mul3A_365 = arith.mulf %bitcast_convert_type3A_359, %sub3A_364 : vector<16xf32>
        %mul3A_366 = arith.mulf %mul3A_351, %mul3A_365 : vector<16xf32>
        %mul3A_367 = arith.mulf %mul3A_366, %mul3A_365 : vector<16xf32>
        %sub3A_368 = arith.constant 1.500000e+00 : f32
        %sub3A_369 = vector.broadcast %sub3A_368 : f32 to vector<16xf32>
        %sub3A_370 = arith.subf %sub3A_369, %mul3A_367 : vector<16xf32>
        %mul3A_371 = arith.mulf %mul3A_365, %sub3A_370 : vector<16xf32>
        %mul3A_372 = arith.mulf %mul3A_351, %mul3A_371 : vector<16xf32>
        %mul3A_373 = arith.mulf %mul3A_372, %mul3A_371 : vector<16xf32>
        %sub3A_374 = arith.constant 1.500000e+00 : f32
        %sub3A_375 = vector.broadcast %sub3A_374 : f32 to vector<16xf32>
        %sub3A_376 = arith.subf %sub3A_375, %mul3A_373 : vector<16xf32>
        %mul3A_377 = arith.mulf %mul3A_371, %sub3A_376 : vector<16xf32>
        %sub3A_378 = arith.subf %get3A_304, %add3A_337 : vector<16xf32>
        %mul3A_379 = arith.mulf %sub3A_378, %mul3A_377 : vector<16xf32>
        %mul3A_380 = arith.mulf %mul3A_379, %get3A_3 : vector<16xf32>
        %add3A_381 = arith.addf %mul3A_380, %get3A_11 : vector<16xf32>
        %swap3A_382 = arith.index_cast %add3A_301 : i32 to index
        %swap3A_383 = arith.constant 0 : index
        %swap3A_384 = tpu.vector_load %arg10[%swap3A_382, %swap3A_383] {strides = array<i32>} : memref<128x64xf32, #tpu.memory_space<vmem>>, vector<16xf32>,
        tpu.vector_store %arg10[%swap3A_382, %swap3A_383], %add3A_381 {strides = array<i32>} : memref<128x64xf32, #tpu.memory_space<vmem>>, vector<16xf32>,
        %sub3A_385 = arith.subf %get3A_307, %add3A_337 : vector<16xf32>
        %mul3A_386 = arith.mulf %sub3A_385, %mul3A_377 : vector<16xf32>
        %mul3A_387 = arith.mulf %mul3A_386, %get3A_5 : vector<16xf32>
        %add3A_388 = arith.addf %mul3A_387, %get3A_13 : vector<16xf32>
        %swap3A_389 = arith.index_cast %add3A_301 : i32 to index
        %swap3A_390 = arith.constant 16 : index
        %swap3A_391 = tpu.vector_load %arg10[%swap3A_389, %swap3A_390] {strides = array<i32>} : memref<128x64xf32, #tpu.memory_space<vmem>>, vector<16xf32>,
        tpu.vector_store %arg10[%swap3A_389, %swap3A_390], %add3A_388 {strides = array<i32>} : memref<128x64xf32, #tpu.memory_space<vmem>>, vector<16xf32>,
        %sub3A_392 = arith.subf %get3A_310, %add3A_337 : vector<16xf32>
        %mul3A_393 = arith.mulf %sub3A_392, %mul3A_377 : vector<16xf32>
        %mul3A_394 = arith.mulf %mul3A_393, %get3A_7 : vector<16xf32>
        %add3A_395 = arith.addf %mul3A_394, %get3A_15 : vector<16xf32>
        %swap3A_396 = arith.index_cast %add3A_301 : i32 to index
        %swap3A_397 = arith.constant 32 : index
        %swap3A_398 = tpu.vector_load %arg10[%swap3A_396, %swap3A_397] {strides = array<i32>} : memref<128x64xf32, #tpu.memory_space<vmem>>, vector<16xf32>,
        tpu.vector_store %arg10[%swap3A_396, %swap3A_397], %add3A_395 {strides = array<i32>} : memref<128x64xf32, #tpu.memory_space<vmem>>, vector<16xf32>,
        %sub3A_399 = arith.subf %get3A_313, %add3A_337 : vector<16xf32>
        %mul3A_400 = arith.mulf %sub3A_399, %mul3A_377 : vector<16xf32>
        %mul3A_401 = arith.mulf %mul3A_400, %get3A_9 : vector<16xf32>
        %add3A_402 = arith.addf %mul3A_401, %get3A_17 : vector<16xf32>
        %swap3A_403 = arith.index_cast %add3A_301 : i32 to index
        %swap3A_404 = arith.constant 48 : index
        %swap3A_405 = tpu.vector_load %arg10[%swap3A_403, %swap3A_404] {strides = array<i32>} : memref<128x64xf32, #tpu.memory_space<vmem>>, vector<16xf32>,
        tpu.vector_store %arg10[%swap3A_403, %swap3A_404], %add3A_402 {strides = array<i32>} : memref<128x64xf32, #tpu.memory_space<vmem>>, vector<16xf32>,
        %mul3A_406 = arith.constant 4 : i32
        %mul3A_407 = arith.muli %scan3A_86, %mul3A_406 : i32
        %add3A_408 = arith.constant 3 : i32
        %add3A_409 = arith.addi %mul3A_407, %add3A_408 : i32
        %get3A_410 = arith.index_cast %add3A_409 : i32 to index
        %get3A_411 = arith.constant 0 : index
        %get3A_412 = tpu.vector_load %arg10[%get3A_410, %get3A_411] {strides = array<i32>} : memref<128x64xf32, #tpu.memory_space<vmem>>, vector<16xf32>,
        %get3A_413 = arith.index_cast %add3A_409 : i32 to index
        %get3A_414 = arith.constant 16 : index
        %get3A_415 = tpu.vector_load %arg10[%get3A_413, %get3A_414] {strides = array<i32>} : memref<128x64xf32, #tpu.memory_space<vmem>>, vector<16xf32>,
        %get3A_416 = arith.index_cast %add3A_409 : i32 to index
        %get3A_417 = arith.constant 32 : index
        %get3A_418 = tpu.vector_load %arg10[%get3A_416, %get3A_417] {strides = array<i32>} : memref<128x64xf32, #tpu.memory_space<vmem>>, vector<16xf32>,
        %get3A_419 = arith.index_cast %add3A_409 : i32 to index
        %get3A_420 = arith.constant 48 : index
        %get3A_421 = tpu.vector_load %arg10[%get3A_419, %get3A_420] {strides = array<i32>} : memref<128x64xf32, #tpu.memory_space<vmem>>, vector<16xf32>,
        %add3A_422 = arith.addf %get3A_412, %get3A_415 : vector<16xf32>
        %add3A_423 = arith.addf %get3A_418, %get3A_421 : vector<16xf32>
        %add3A_424 = arith.addf %add3A_422, %add3A_423 : vector<16xf32>
        %mul3A_425 = arith.mulf %get3A_412, %get3A_412 : vector<16xf32>
        %mul3A_426 = arith.mulf %get3A_415, %get3A_415 : vector<16xf32>
        %add3A_427 = arith.addf %mul3A_425, %mul3A_426 : vector<16xf32>
        %mul3A_428 = arith.mulf %get3A_418, %get3A_418 : vector<16xf32>
        %mul3A_429 = arith.mulf %get3A_421, %get3A_421 : vector<16xf32>
        %add3A_430 = arith.addf %mul3A_428, %mul3A_429 : vector<16xf32>
        %add3A_431 = arith.addf %add3A_427, %add3A_430 : vector<16xf32>
        %reduce_sum3A_432 = arith.constant true
        %reduce_sum3A_433 = vector.broadcast %reduce_sum3A_432 : i1 to vector<16xi1>
        %reduce_sum3A_434 = tpu.scan <sum>, %add3A_424 masked %reduce_sum3A_433 : vector<16xf32>, vector<16xi1> -> vector<16xf32>
        %reduce_sum3A_435 = vector.extract %reduce_sum3A_434[15] : f32 from vector<16xf32>
        %reduce_sum3A_436 = arith.constant true
        %reduce_sum3A_437 = vector.broadcast %reduce_sum3A_436 : i1 to vector<16xi1>
        %reduce_sum3A_438 = tpu.scan <sum>, %add3A_431 masked %reduce_sum3A_437 : vector<16xf32>, vector<16xi1> -> vector<16xf32>
        %reduce_sum3A_439 = vector.extract %reduce_sum3A_438[15] : f32 from vector<16xf32>
        %broadcast_in_dim3A_440 = arith.constant 0.000000e+00 : f32
        %broadcast_in_dim3A_441 = vector.broadcast %broadcast_in_dim3A_440 : f32 to vector<16xf32>
        %mul3A_442 = arith.constant 1.562500e-02 : f32
        %mul3A_443 = arith.mulf %reduce_sum3A_435, %mul3A_442 : f32
        %add3A_444 = vector.broadcast %mul3A_443 : f32 to vector<16xf32>
        %add3A_445 = arith.addf %broadcast_in_dim3A_441, %add3A_444 : vector<16xf32>
        %broadcast_in_dim3A_446 = arith.constant 0.000000e+00 : f32
        %broadcast_in_dim3A_447 = vector.broadcast %broadcast_in_dim3A_446 : f32 to vector<16xf32>
        %mul3A_448 = arith.constant 1.562500e-02 : f32
        %mul3A_449 = arith.mulf %reduce_sum3A_439, %mul3A_448 : f32
        %add3A_450 = vector.broadcast %mul3A_449 : f32 to vector<16xf32>
        %add3A_451 = arith.addf %broadcast_in_dim3A_447, %add3A_450 : vector<16xf32>
        %mul3A_452 = arith.mulf %add3A_445, %add3A_445 : vector<16xf32>
        %sub3A_453 = arith.subf %add3A_451, %mul3A_452 : vector<16xf32>
        %add3A_454 = arith.constant 9.99999974E-6 : f32
        %add3A_455 = vector.broadcast %add3A_454 : f32 to vector<16xf32>
        %add3A_456 = arith.addf %sub3A_453, %add3A_455 : vector<16xf32>
        %mul3A_457 = arith.constant 5.000000e-01 : f32
        %mul3A_458 = vector.broadcast %mul3A_457 : f32 to vector<16xf32>
        %mul3A_459 = arith.mulf %add3A_456, %mul3A_458 : vector<16xf32>
        %bitcast_convert_type3A_460 = tpu.bitcast %add3A_456 : vector<16xf32> -> vector<16xi32>
        %shift_right_arithmetic3A_461 = arith.constant 1 : i32
        %shift_right_arithmetic3A_462 = vector.broadcast %shift_right_arithmetic3A_461 : i32 to vector<16xi32>
        %shift_right_arithmetic3A_463 = arith.shrsi %bitcast_convert_type3A_460, %shift_right_arithmetic3A_462 : vector<16xi32>
        %sub3A_464 = arith.constant 1597463007 : i32
        %sub3A_465 = vector.broadcast %sub3A_464 : i32 to vector<16xi32>
        %sub3A_466 = arith.subi %sub3A_465, %shift_right_arithmetic3A_463 : vector<16xi32>
        %bitcast_convert_type3A_467 = tpu.bitcast %sub3A_466 : vector<16xi32> -> vector<16xf32>
        %mul3A_468 = arith.mulf %mul3A_459, %bitcast_convert_type3A_467 : vector<16xf32>
        %mul3A_469 = arith.mulf %mul3A_468, %bitcast_convert_type3A_467 : vector<16xf32>
        %sub3A_470 = arith.constant 1.500000e+00 : f32
        %sub3A_471 = vector.broadcast %sub3A_470 : f32 to vector<16xf32>
        %sub3A_472 = arith.subf %sub3A_471, %mul3A_469 : vector<16xf32>
        %mul3A_473 = arith.mulf %bitcast_convert_type3A_467, %sub3A_472 : vector<16xf32>
        %mul3A_474 = arith.mulf %mul3A_459, %mul3A_473 : vector<16xf32>
        %mul3A_475 = arith.mulf %mul3A_474, %mul3A_473 : vector<16xf32>
        %sub3A_476 = arith.constant 1.500000e+00 : f32
        %sub3A_477 = vector.broadcast %sub3A_476 : f32 to vector<16xf32>
        %sub3A_478 = arith.subf %sub3A_477, %mul3A_475 : vector<16xf32>
        %mul3A_479 = arith.mulf %mul3A_473, %sub3A_478 : vector<16xf32>
        %mul3A_480 = arith.mulf %mul3A_459, %mul3A_479 : vector<16xf32>
        %mul3A_481 = arith.mulf %mul3A_480, %mul3A_479 : vector<16xf32>
        %sub3A_482 = arith.constant 1.500000e+00 : f32
        %sub3A_483 = vector.broadcast %sub3A_482 : f32 to vector<16xf32>
        %sub3A_484 = arith.subf %sub3A_483, %mul3A_481 : vector<16xf32>
        %mul3A_485 = arith.mulf %mul3A_479, %sub3A_484 : vector<16xf32>
        %sub3A_486 = arith.subf %get3A_412, %add3A_445 : vector<16xf32>
        %mul3A_487 = arith.mulf %sub3A_486, %mul3A_485 : vector<16xf32>
        %mul3A_488 = arith.mulf %mul3A_487, %get3A_3 : vector<16xf32>
        %add3A_489 = arith.addf %mul3A_488, %get3A_11 : vector<16xf32>
        %swap3A_490 = arith.index_cast %add3A_409 : i32 to index
        %swap3A_491 = arith.constant 0 : index
        %swap3A_492 = tpu.vector_load %arg10[%swap3A_490, %swap3A_491] {strides = array<i32>} : memref<128x64xf32, #tpu.memory_space<vmem>>, vector<16xf32>,
        tpu.vector_store %arg10[%swap3A_490, %swap3A_491], %add3A_489 {strides = array<i32>} : memref<128x64xf32, #tpu.memory_space<vmem>>, vector<16xf32>,
        %sub3A_493 = arith.subf %get3A_415, %add3A_445 : vector<16xf32>
        %mul3A_494 = arith.mulf %sub3A_493, %mul3A_485 : vector<16xf32>
        %mul3A_495 = arith.mulf %mul3A_494, %get3A_5 : vector<16xf32>
        %add3A_496 = arith.addf %mul3A_495, %get3A_13 : vector<16xf32>
        %swap3A_497 = arith.index_cast %add3A_409 : i32 to index
        %swap3A_498 = arith.constant 16 : index
        %swap3A_499 = tpu.vector_load %arg10[%swap3A_497, %swap3A_498] {strides = array<i32>} : memref<128x64xf32, #tpu.memory_space<vmem>>, vector<16xf32>,
        tpu.vector_store %arg10[%swap3A_497, %swap3A_498], %add3A_496 {strides = array<i32>} : memref<128x64xf32, #tpu.memory_space<vmem>>, vector<16xf32>,
        %sub3A_500 = arith.subf %get3A_418, %add3A_445 : vector<16xf32>
        %mul3A_501 = arith.mulf %sub3A_500, %mul3A_485 : vector<16xf32>
        %mul3A_502 = arith.mulf %mul3A_501, %get3A_7 : vector<16xf32>
        %add3A_503 = arith.addf %mul3A_502, %get3A_15 : vector<16xf32>
        %swap3A_504 = arith.index_cast %add3A_409 : i32 to index
        %swap3A_505 = arith.constant 32 : index
        %swap3A_506 = tpu.vector_load %arg10[%swap3A_504, %swap3A_505] {strides = array<i32>} : memref<128x64xf32, #tpu.memory_space<vmem>>, vector<16xf32>,
        tpu.vector_store %arg10[%swap3A_504, %swap3A_505], %add3A_503 {strides = array<i32>} : memref<128x64xf32, #tpu.memory_space<vmem>>, vector<16xf32>,
        %sub3A_507 = arith.subf %get3A_421, %add3A_445 : vector<16xf32>
        %mul3A_508 = arith.mulf %sub3A_507, %mul3A_485 : vector<16xf32>
        %mul3A_509 = arith.mulf %mul3A_508, %get3A_9 : vector<16xf32>
        %add3A_510 = arith.addf %mul3A_509, %get3A_17 : vector<16xf32>
        %swap3A_511 = arith.index_cast %add3A_409 : i32 to index
        %swap3A_512 = arith.constant 48 : index
        %swap3A_513 = tpu.vector_load %arg10[%swap3A_511, %swap3A_512] {strides = array<i32>} : memref<128x64xf32, #tpu.memory_space<vmem>>, vector<16xf32>,
        tpu.vector_store %arg10[%swap3A_511, %swap3A_512], %add3A_510 {strides = array<i32>} : memref<128x64xf32, #tpu.memory_space<vmem>>, vector<16xf32>,
        %scan3A_514 = arith.constant 0 : i32
        scf.yield %scan3A_514 : i32
      }
      %scan3A_80 = arith.constant 32 : i32
      %dma_start3A_81 = arith.constant 0 : i32
      %dma_start3A_82 = tpu.memref_slice %arg6[%add3A_45, %dma_start3A_81] : memref<819200x64xf32, #tpu.memory_space<hbm>> -> memref<128x64xf32, #tpu.memory_space<hbm>>
      %dma_start3A_83 = arith.constant 0 : i32
      %dma_start3A_84 = tpu.memref_slice %arg6[%add3A_45, %dma_start3A_83] : memref<819200x64xf32, #tpu.memory_space<hbm>> -> memref<128x64xf32, #tpu.memory_space<hbm>>
      tpu.enqueue_dma source(%arg10 : memref<128x64xf32, #tpu.memory_space<vmem>>) target(%dma_start3A_84 : memref<128x64xf32, #tpu.memory_space<hbm>>) target_semaphore(%arg16 : memref<!tpu.dma_semaphore, #tpu.memory_space<semaphore_mem>>)
      %scan3A_85 = arith.constant 0 : i32
      scf.yield %scan3A_85 : i32
    }
    %scan3A_25 = arith.constant 100 : i32
    %add3A_26 = arith.constant 25344 : i32
    %add3A_27 = arith.addi %mul3A_2, %add3A_26 : i32
    %dma_wait3A = arith.constant 0 : i32
    %dma_wait3A_28 = tpu.memref_slice %arg6[%add3A_27, %dma_wait3A] : memref<819200x64xf32, #tpu.memory_space<hbm>> -> memref<128x64xf32, #tpu.memory_space<hbm>>
    %dma_wait3A_29 = arith.constant 0 : i32
    %dma_wait3A_30 = tpu.memref_slice %arg6[%add3A_27, %dma_wait3A_29] : memref<819200x64xf32, #tpu.memory_space<hbm>> -> memref<128x64xf32, #tpu.memory_space<hbm>>
    tpu.wait_dma2 semaphore(%arg15 : memref<!tpu.dma_semaphore, #tpu.memory_space<semaphore_mem>>) src(%arg9 : memref<128x64xf32, #tpu.memory_space<vmem>>) dst(%dma_wait3A_30 : memref<128x64xf32, #tpu.memory_space<hbm>>)
    %add3A_31 = arith.constant 25472 : i32
    %add3A_32 = arith.addi %mul3A_2, %add3A_31 : i32
    %dma_wait3A_33 = arith.constant 0 : i32
    %dma_wait3A_34 = tpu.memref_slice %arg6[%add3A_32, %dma_wait3A_33] : memref<819200x64xf32, #tpu.memory_space<hbm>> -> memref<128x64xf32, #tpu.memory_space<hbm>>
    %dma_wait3A_35 = arith.constant 0 : i32
    %dma_wait3A_36 = tpu.memref_slice %arg6[%add3A_32, %dma_wait3A_35] : memref<819200x64xf32, #tpu.memory_space<hbm>> -> memref<128x64xf32, #tpu.memory_space<hbm>>
    tpu.wait_dma2 semaphore(%arg16 : memref<!tpu.dma_semaphore, #tpu.memory_space<semaphore_mem>>) src(%arg10 : memref<128x64xf32, #tpu.memory_space<vmem>>) dst(%dma_wait3A_36 : memref<128x64xf32, #tpu.memory_space<hbm>>)
    return
  }
}

</mosaic_0001>

<sc_bundles>
// kernel: kernel.3.cloned.1.call-start
scs
__scs_entry_jumppad:
0x0: {  	(pc) =	sbr.rel $0x88, $3  }
0x1: {  	(tag) =	ssettag $0x0;
	lr =	simm.s32 $0x1  }
0x2: {  	[smem:$0x3F9D] =	sst lr;
	_ =	strace $0xD0000000  }
0x3: {  	_ = 	snop  }
0x4: {  	_ = 	snop  }
0x5: {  	_ = 	snop  }
0x6: {  	_ = 	snop  }
0x7: {  	_ = 	snop  }
__scs_overlays_trampoline_lowered:
0x8: {  	[smem:$0x3FAC] =	sst s0  }
0x9: {  	[smem:$0x3FAD] =	sst s1  }
0xa: {  	[smem:$0x3FAE] =	sst s2  }
0xb: {  	[smem:$0x3FAF] =	sst s3  }
0xc: {  	[smem:$0x3FB0] =	sst s4  }
0xd: {  	[smem:$0x3FB1] =	sst s5  }
0xe: {  	[smem:$0x3FB2] =	sst s6  }
0xf: {  	[smem:$0x3FB3] =	sst s7  }
0x10: {  	[smem:$0x3FB4] =	sst s8  }
0x11: {  	[smem:$0x3FB5] =	sst s9;
	s0 =	simm.s32 @!p0 $0x0  }
0x12: {  	s1 =	sld [smem:$0x3F9B];
	s0 =	simm.s32 @p0 $0x1  }
0x13: {  	[smem:$0x3FB6] =	sst s0;
	s0 =	simm.s32 @!p1 $0x0  }
0x14: {  	s2 =	sld [smem:$0x3F9A];
	s0 =	simm.s32 @p1 $0x1  }
0x15: {  	[smem:$0x3FB7] =	sst s0;
	s0 =	simm.s32 @!p2 $0x0  }
0x16: {  	s3 =	sld [smem:$0x3FDB];
	s0 =	simm.s32 @p2 $0x1  }
0x17: {  	s4 =	simm.s32 $0x1BF5;
	[smem:$0x3FB9] =	sst s0  }
0x18: {  	s0 =	sld [smem:$0x3F9C];
	_ =	swait.ge [sflag:s4], $0x0  }
0x19: {  	s7 =	sld [smem:$0x3F9D]  }
0x1a: {  	s8 =	sadd.s32 $0xFFFFE003, lr  }
0x1b: {  	s9 =	sadd.s32 $0xFFFFFEF7, lr;
	s5 =	simm.s32 $0xFFFFFFFF;
	p2 =	slt.u32 s8, $0xFFFFF086  }
0x1c: {  	p1 =	slt.u32 s9, $0xF7A;
	s5 =	simm.s32 @!p2 $0x0  }
0x1d: {  	s5 =	simm.s32 @p1 $0x1;
	p0 =	seq.s32 s7, s2  }
0x1e: {  	s7 =	smul.u32 @!p0 $0xF7A, s2;
	p2 =	seq.s32 @!p0 s5, $0x0  }
0x1f: {  	s9 =	smul.u32 $0xF7A, s1;
	s8 =	simm.s32 @!p0 $0x1BF5;
	p2 =	por !p2, p0  }
0x20: {  	[sflag:s8] =	ssyncset.s32 @!p0 $0xFFFFF086;
	s6 =	sadd.s32 @!p0 s3, s7;
	s7 =	simm.s32 @!p0 $0x108  }
0x21: {  	s3 =	sadd.s32 s3, s9;
	s6 =	sadd.s32 @!p0 $0x88, s6;
	s7 =	simm.s32 @p2 $0x1082  }
0x22: {  	[simem:s7], [sflag:s8] =	dma.local @!p0 [hbm:s6], $0xF7A  }
0x23: {  	s9 =	sor.u32 $0xD0000000, s2;
	s6 =	simm.s32 $0x108;
	_ =	swait.ge @!p0 [sflag:s8], $0x0  }
0x24: {  	s3 =	sadd.s32 $0x88, s3;
	s6 =	simm.s32 @!p1 $0x1082;
	[sflag:s4] =	ssyncset.s32 $0xFFFFF086  }
0x25: {  	[simem:s6], [sflag:s4] =	dma.local [hbm:s3], $0xF7A  }
0x26: {  	[smem:$0x3F9D] =	sst s1;
	(tag) =	ssettag s2;
	_ =	strace s9  }
0x27: {  	s1 =	sld [smem:$0x3FAD]  }
0x28: {  	s2 =	sld [smem:$0x3FAE]  }
0x29: {  	s4 =	sld [smem:$0x3FB0]  }
0x2a: {  	p0 =	seq.s32 s5, $0x0;
	s5 =	sld [smem:$0x3FB1]  }
0x2b: {  	s6 =	sld [smem:$0x3FB2]  }
0x2c: {  	s7 =	sld [smem:$0x3FB3]  }
0x2d: {  	s3 =	simm.s32 $0x108;
	s8 =	sld [smem:$0x3FB4]  }
0x2e: {  	s3 =	simm.s32 @!p0 $0x1082;
	s9 =	sld [smem:$0x3FB5]  }
0x2f: {  	lr =	sadd.s32 s0, s3;
	s0 =	sld [smem:$0x3FAC]  }
0x30: {  	s3 =	sld [smem:$0x3FAF]  }
0x31: {  	[smem:$0x3FB8] =	sst s10  }
0x32: {  	s10 =	sld [smem:$0x3FB6];
	_ =	sdelay $0x3  }
0x33: {  	p0 =	seq.s32 s10, $0x1;
	s10 =	sld [smem:$0x3FB8];
	_ =	sdelay $0x3  }
0x34: {  	[smem:$0x3FB8] =	sst s10  }
0x35: {  	s10 =	sld [smem:$0x3FB7];
	_ =	sdelay $0x3  }
0x36: {  	p1 =	seq.s32 s10, $0x1;
	s10 =	sld [smem:$0x3FB8];
	_ =	sdelay $0x3  }
0x37: {  	[smem:$0x3FB8] =	sst s10  }
0x38: {  	s10 =	sld [smem:$0x3FB9]  }
0x39: {  	_ = 	snop;
	(pc) =	sbr.ind lr, $3  }
0x3a: {  	_ = 	snop  }
0x3b: {  	_ = 	snop  }
0x3c: {  	p2 =	seq.s32 s10, $0x1;
	s10 =	sld [smem:$0x3FB8]  }
0x3d: {  	_ =	shalt  }
0x3e: {  	_ =	shalt  }
0x3f: {  	_ =	shalt  }
0x40: {  	_ =	shalt  }
0x41: {  	_ =	shalt  }
0x42: {  	_ =	shalt  }
0x43: {  	_ =	shalt  }
0x44: {  	_ =	shalt  }
0x45: {  	_ =	shalt  }
0x46: {  	_ =	shalt  }
0x47: {  	_ =	shalt  }
0x48: {  	_ =	shalt  }
0x49: {  	_ =	shalt  }
0x4a: {  	_ =	shalt  }
0x4b: {  	_ =	shalt  }
0x4c: {  	_ =	shalt  }
0x4d: {  	_ =	shalt  }
0x4e: {  	_ =	shalt  }
0x4f: {  	_ =	shalt  }
0x50: {  	_ =	shalt  }
0x51: {  	_ =	shalt  }
0x52: {  	_ =	shalt  }
0x53: {  	_ =	shalt  }
0x54: {  	_ =	shalt  }
0x55: {  	_ =	shalt  }
0x56: {  	_ =	shalt  }
0x57: {  	_ =	shalt  }
0x58: {  	_ =	shalt  }
0x59: {  	_ =	shalt  }
0x5a: {  	_ =	shalt  }
0x5b: {  	_ =	shalt  }
0x5c: {  	_ =	shalt  }
0x5d: {  	_ =	shalt  }
0x5e: {  	_ =	shalt  }
0x5f: {  	_ =	shalt  }
0x60: {  	_ =	shalt  }
0x61: {  	_ =	shalt  }
0x62: {  	_ =	shalt  }
0x63: {  	_ =	shalt  }
0x64: {  	_ =	shalt  }
0x65: {  	_ =	shalt  }
0x66: {  	_ =	shalt  }
0x67: {  	_ =	shalt  }
0x68: {  	_ =	shalt  }
0x69: {  	_ =	shalt  }
0x6a: {  	_ =	shalt  }
0x6b: {  	_ =	shalt  }
0x6c: {  	_ =	shalt  }
0x6d: {  	_ =	shalt  }
0x6e: {  	_ =	shalt  }
0x6f: {  	_ =	shalt  }
0x70: {  	_ =	shalt  }
0x71: {  	_ =	shalt  }
0x72: {  	_ =	shalt  }
0x73: {  	_ =	shalt  }
0x74: {  	_ =	shalt  }
0x75: {  	_ =	shalt  }
0x76: {  	_ =	shalt  }
0x77: {  	_ =	shalt  }
0x78: {  	_ =	shalt  }
0x79: {  	_ =	shalt  }
0x7a: {  	_ =	shalt  }
0x7b: {  	_ =	shalt  }
0x7c: {  	_ =	shalt  }
0x7d: {  	_ =	shalt  }
0x7e: {  	_ =	shalt  }
0x7f: {  	_ =	shalt  }
0x80: {  	_ =	shalt  }
0x81: {  	_ =	shalt  }
0x82: {  	_ =	shalt  }
0x83: {  	_ =	shalt  }
0x84: {  	_ =	shalt  }
0x85: {  	_ =	shalt  }
0x86: {  	_ =	shalt  }
0x87: {  	_ =	shalt  }
.Lfunc_end0:
.L_simem_size_0:
called_computation.1_lowered:
.L_overlay_start_0:
0x88: {  	s2 =	sld [smem:$0x3FD9]  }
0x89: {  	s3 =	sld [smem:$0x3FFE];
	_ =	sdelay $0x1  }
0x8a: {  	s1 =	srdreg.scid  }
0x8b: {  	s0 =	sand.u32 $0x1, s1  }
0x8c: {  	s17 =	sshll.u32 s0, $0xA;
	s2 =	sadd.s32 s3, s2  }
0x8d: {  	s2 =	sadd.s32 s2, s17  }
0x8e: {  	[smem:$0x3FC4] =	sst s2  }
0x8f: {  	_ = 	snop  }
0x90: {  	s2 =	sld [smem:$0x3FC7]  }
0x91: {  	s18 =	sld [smem:$0x3FC6]  }
0x92: {  	s4 =	sld [smem:$0x3FD0];
	(tm) =	ssettm $0x1  }
0x93: {  	s5 =	sld [smem:$0x3FFB];
	_ =	sdelay $0x3  }
0x94: {  	_ =	strace s5  }
0x95: {  	s5 =	sld [smem:$0x3FFC];
	_ =	sdelay $0x3  }
0x96: {  	_ =	strace s5  }
0x97: {  	s5 =	sld [smem:$0x3FFD];
	_ =	sdelay $0x3  }
0x98: {  	_ =	strace s5  }
0x99: {  	_ =	strace $0x8FFFFFFF  }
0x9a: {  	s19 =	sld [smem:$0x3FDB];
	_ =	sdelay $0x1  }
0x9b: {  	s6 =	simm.s32 $_scs_section_size  }
0x9c: {  	s7 =	simm.s32 $_size__tile_overlayer_lowered;
	s8 =	simm.s32 $_tile_overlayer_lowered  }
0x9d: {  	s22 =	simm.s32 $0x1BFF;
	s21 =	sshll.u32 s8, $0x1;
	s5 =	sadd.s32 s6, s19  }
0x9e: {  	s9 =	simm.s32 $0x0;
	s20 =	sshll.u32 s7, $0x1;
	s7 =	sadd.s32 s21, s5  }
0x9f: {  	[timem:s9], [sflag:s22] =	dma.local [hbm:s7], s20  }
0xa0: {  	_ =	swait.ge [sflag:s22], s20  }
0xa1: {  	s6 =	ssub.s32 $0x0, s20;
	[sflag:s22] =	ssyncset.done $0x0  }
0xa2: {  	[sflag:s22] =	ssyncadd.s32 s6;
	_ =	sdelay $0x1  }
0xa3: {  	s23 =	simm.s32 $0x1B8B  }
0xa4: {  	_ =	swait.ge [sflag:s23], $0x1  }
0xa5: {  	[sflag:s23] =	ssyncset.done $0x0  }
0xa6: {  	s25 =	simm.s32 $0x1B8E;
	s24 =	sld [smem:$0x3FFE];
	[sflag:s23] =	ssyncadd.s32 $0xFFFFFFFF  }
0xa7: {  	s26 =	simm.s32 $execute0_lowered;
	[smem:$0x3FD2] =	sst s25  }
0xa8: {  	s7 =	sshll.u32 s26, $0x1;
	_ =	strace $0x80000046;
	[dreg:$0x1] =	wrdreg $0xFFFFFFFF  }
0xa9: {  	s28 =	simm.s32 $_size_execute0_lowered;
	s5 =	sadd.s32 s5, s7;
	[dreg:$0x0] =	wrdreg $0x0  }
0xaa: {  	s7 =	sshll.u32 s28, $0x1;
	[dreg:$0x2] =	wrdreg s5  }
0xab: {  	[dreg:$0x3] =	wrdreg s7  }
0xac: {  	[dreg:$0x4] =	wrdreg $0xC0  }
0xad: {  	_ =	task [dreg:s9], $0x5FFFF  }
0xae: {  	[dreg:$0x1] =	wrdreg $0xFFFFFFFF  }
0xaf: {  	[dreg:$0x0] =	wrdreg $0x60  }
0xb0: {  	[dreg:$0x2] =	wrdreg s24  }
0xb1: {  	[dreg:$0x3] =	wrdreg s2  }
0xb2: {  	[dreg:$0x4] =	wrdreg s18  }
0xb3: {  	[dreg:$0x5] =	wrdreg s4  }
0xb4: {  	[dreg:$0x6] =	wrdreg $0x9  }
0xb5: {  	_ =	task.clear_ibuf [dreg:s9], $0x7FFFF;
	_ =	strace $0x90000046  }
0xb6: {  	s29 =	simm.s32 $0x9;
	_ =	strace $0x80000048  }
0xb7: {  	_ =	swait.ge [sflag:s29], $0x1  }
0xb8: {  	[sflag:s29] =	ssyncadd.s32 $0xFFFFFFFF  }
0xb9: {  	_ =	strace $0x90000048  }
0xba: {  	_ =	sfence  }
0xbb: {  	s30 =	sld [smem:$0x0];
	_ =	sdelay $0x2  }
0xbc: {  	s31 =	sshll.u32 s1, $0xD;
	s1 =	sshrl.u32 s1, $0x2  }
0xbd: {  	s3 =	sand.u32 $0x4000, s31;
	s1 =	sadd.s32 s1, s30  }
0xbe: {  	s0 =	sor.u32 s3, s0;
	s1 =	sshll.u32 s1, $0x11  }
0xbf: {  	s0 =	sor.u32 s1, s0  }
0xc0: {  	s0 =	sadd.s32 $0x8F2B, s0  }
0xc1: {  	[sflag:s0] =	ssyncadd.remote.s32 $0x1  }
0xc2: {  	_ =	sfence.sel $0xFFFF  }
0xc3: {  	[dreg:$0x0] =	wrdreg $0xFFFFFFFF;
	(pc) =	sbr.abs _section_cstart, $3  }
0xc4: {  	[dreg:$0x1] =	wrdreg $0xFFFFFFFF  }
0xc5: {  	_ =	task.clear_ibuf [dreg:s9], $0x2FFFF;
	_ =	strace $0x9FFFFFFF  }
0xc6: {  	(tm) =	ssettm $0x7FFFFFFF  }
0xc7: {  	_ =	shalt  }
tec
execute0_lowered:
.L_overlay_start_1:
0x0: {  	(tag) =	ssettag $0x1  }
0x1: {  	s8 =	rddreg [dreg:$0x0]  }
0x2: {  	s1 =	rddreg [dreg:$0x1]  }
0x3: {  	s3 =	rddreg [dreg:$0x2];
	s2 =	srdreg.scid  }
0x4: {  	s0 =	stileid.u32;
	s4 =	rddreg [dreg:$0x3]  }
0x5: {  	s5 =	simm.s32 $0x0;
	s12 =	simm.s32 $0x5;
	s13 =	simm.s32 $0x4140  }
0x6: {  	s14 =	simm.s32 $0x80;
	s15 =	simm.s32 $0x100;
	s16 =	simm.s32 $0x2100  }
0x7: {  	s17 =	simm.s32 $0x1;
	s18 =	simm.s32 $0x2;
	s19 =	simm.s32 $0x3  }
0x8: {  	s20 =	simm.s32 $0x4;
	s7 =	sand.u32 $0x1, s2;
	s6 =	sshll.u32 s0, $0x1  }
0x9: {  	s21 =	simm.s32 $0x0;
	s2 =	rddreg [dreg:$0x4];
	s6 =	sor.u32 s7, s6  }
0xa: {  	[smem:$0x7FF] =	sst s5;
	s9 =	ssub.s32 $0x2, s7;
	s6 =	smul.u32 $0x6400, s6  }
0xb: {  	_ =	strace $0x80000047;
	s7 =	sadd.s32 $0xA00, s8;
	s10 =	sshrl.u32 s9, $0x1  }
0xc: {  	s8 =	sadd.s32 $0xF42E00, s8;
	s10 =	ssub.s32 s9, s10;
	s11 =	sshrl.u32 s6, $0x3  }
0xd: {  	s10 =	smax.u32 s10, $0x1;
	s9 =	sadd.s32 s7, s11;
	s11 =	simm.s32 $0x4100  }
.LBB2_1:
0xe: {  	[tilespmem:s11], [sflag:$0x5] =	stream.linear.gather [hbm4b:s1+s5], $0x40, $0x38;
	[tilespmem:$0x4180] =	vst v63  }
0xf: {  	_ =	swait.ge [sflag:s12], $0x40  }
0x10: {  	[sflag:s12] =	ssyncset.done $0x0  }
0x11: {  	[sflag:s12] =	ssyncadd.s32 $0xFFFFFFC0  }
0x12: {  	[tilespmem:s13], [sflag:$0x5] =	stream.linear.gather [hbm4b:s3+s5], $0x40, $0x38;
	[tilespmem:$0x4180] =	vst v63  }
0x13: {  	_ =	swait.ge [sflag:s12], $0x40  }
0x14: {  	[sflag:s12] =	ssyncset.done $0x0  }
0x15: {  	[sflag:s12] =	ssyncadd.s32 $0xFFFFFFC0  }
0x16: {  	v0 =	vld [tilespmem:$0x4100]  }
0x17: {  	v1 =	vld [tilespmem:$0x4110]  }
0x18: {  	v2 =	vld [tilespmem:$0x4120]  }
0x19: {  	v3 =	vld [tilespmem:$0x4130]  }
0x1a: {  	v4 =	vld [tilespmem:$0x4140]  }
0x1b: {  	v5 =	vld [tilespmem:$0x4150]  }
0x1c: {  	v6 =	vld [tilespmem:$0x4160]  }
0x1d: {  	v7 =	vld [tilespmem:$0x4170];
	[tilespmem:s5], [sflag:$0x5] =	stream.linear.gather [hbm4b:s9+s5], $0x80, $0x38  }
0x1e: {  	_ =	swait.ge [sflag:s12], $0x80  }
0x1f: {  	[sflag:s12] =	ssyncset.done $0x0  }
0x20: {  	s22 =	simm.s32 $0x0;
	[sflag:s12] =	ssyncadd.s32 $0xFFFFFF80  }
0x21: {  	[tilespmem:s15], [sflag:$0x1] =	stream.indirect.gather [hbm4b:s8+s14], $0x40, s5, s14, $0xb8;
	[tilespmem:$0x4180] =	vst v63  }
.LBB2_2:
0x22: {  	s23 =	sshll.u32 s22, $0x8;
	p0 =	seq.s32 s22, $0x0  }
0x23: {  	s24 =	sadd.s32 s6, s23;
	s25 =	simm.s32 @!p0 $0x4  }
0x24: {  	s23 =	sor.u32 $0x80, s24;
	_ =	swait.ge @!p0 [sflag:s25], $0x2000  }
0x25: {  	[sflag:s25] =	ssyncset.done @!p0 $0x0;
	s26 =	sshrl.u32 s23, $0x3  }
0x26: {  	s31 =	simm.s32 $0x0;
	[sflag:s25] =	ssyncadd.s32 @!p0 $0xFFFFE000;
	s30 =	sadd.s32 s7, s26  }
0x27: {  	[tilespmem:s14], [sflag:$0x5] =	stream.linear.gather [hbm4b:s30+s31], $0x80, $0x38;
	[tilespmem:$0x4180] =	vst v63  }
0x28: {  	_ =	swait.ge [sflag:s12], $0x80  }
0x29: {  	[sflag:s12] =	ssyncset.done $0x0  }
0x2a: {  	[sflag:s12] =	ssyncadd.s32 $0xFFFFFF80  }
0x2b: {  	[tilespmem:s16], [sflag:$0x2] =	stream.indirect.gather [hbm4b:s8+s14], $0x40, s14, s14, $0xb8;
	[tilespmem:$0x4180] =	vst v63  }
0x2c: {  	_ =	swait.ge [sflag:s17], $0x2000  }
0x2d: {  	[sflag:s17] =	ssyncset.done $0x0  }
0x2e: {  	s25 =	simm.s32 $0x0;
	[sflag:s17] =	ssyncadd.s32 $0xFFFFE000  }
0x2f: {  	v11 =	vld [tilespmem:s25+$0x1B0]  }
0x30: {  	v12 =	vld [tilespmem:s25+$0x180]  }
0x31: {  	v15 =	vld [tilespmem:s25+$0x1A0]  }
0x32: {  	v16 =	vld [tilespmem:s25+$0x190];
	_ =	sdelay $0x2  }
0x33: {  	v20 =	vld [tilespmem:s25+$0x140]  }
0x34: {  	v23 =	vld [tilespmem:s25+$0x170];
	v8 =	vmul.f32 v15, v15;
	v9 =	vmul.f32 v11, v11  }
0x35: {  	v22 =	vld [tilespmem:s25+$0x160];
	v10 =	vmul.f32 v16, v16;
	v13 =	vmul.f32 v12, v12  }
0x36: {  	v24 =	vld [tilespmem:s25+$0x150]  }
0x37: {  	v25 =	vld [tilespmem:s25+$0x120];
	v8 =	vadd.f32 v9, v8;
	v9 =	vadd.f32 v10, v13  }
0x38: {  	v17 =	vld [tilespmem:s25+$0x110];
	v10 =	vadd.f32 v11, v15;
	v13 =	vadd.f32 v16, v12  }
0x39: {  	v27 =	vld [tilespmem:s25+$0x100];
	v9 =	vadd.f32 v8, v9  }
0x3a: {  	v19 =	vld [tilespmem:s25+$0x130];
	v10 =	vadd.f32 v10, v13  }
0x3b: {  	(xrf2) =	vadd.scan.msk.f32 $0xffff, v9;
	v9 =	vld [tilespmem:s25+$0x1F0]  }
0x3c: {  	v14 =	vmul.f32 v23, v23;
	v13 =	vmul.f32 v22, v22;
	(xrf2) =	vadd.scan.msk.f32 $0xffff, v10;
	v10 =	vld [tilespmem:s25+$0x1E0]  }
0x3d: {  	v18 =	vld [tilespmem:s25+$0x1C0];
	v21 =	vadd.f32 v23, v22;
	v26 =	vmul.f32 v24, v24;
	v28 =	vmul.f32 v20, v20  }
0x3e: {  	v8 =	vld [tilespmem:s25+$0x1D0];
	v13 =	vadd.f32 v14, v13;
	v14 =	vadd.f32 v24, v20  }
0x3f: {  	v26 =	vadd.f32 v26, v28;
	v28 =	vadd.f32 v17, v27  }
0x40: {  	v14 =	vadd.f32 v21, v14;
	v21 =	vadd.f32 v19, v25  }
0x41: {  	v13 =	vadd.f32 v13, v26;
	v26 =	vmul.f32 v9, v9;
	v33 =	vmul.f32 v10, v10  }
0x42: {  	v29 =	vmul.f32 v17, v17;
	(xrf2) =	vadd.scan.msk.f32 $0xffff, v14;
	v14 =	vadd.f32 v21, v28;
	v28 =	vmul.f32 v19, v19  }
0x43: {  	v31 =	vmul.f32 v18, v18;
	v32 =	vmul.f32 v8, v8;
	v26 =	vadd.f32 v26, v33  }
0x44: {  	v30 =	vmul.f32 v25, v25;
	v21 =	vmul.f32 v27, v27;
	(xrf2) =	vadd.scan.msk.f32 $0xffff, v13  }
0x45: {  	v13 =	vadd.f32 v32, v31;
	(xrf2) =	vadd.scan.msk.f32 $0xffff, v14  }
0x46: {  	v14 =	vadd.f32 v29, v21;
	v21 =	vadd.f32 v28, v30;
	v28, _, _ =	vpop (xrf2)  }
0x47: {  	v13 =	vadd.f32 v26, v13;
	(v2sf) =	vpush v28, $0xF;
	v26, _, _ =	vpop (xrf2)  }
0x48: {  	v14 =	vadd.f32 v21, v14;
	(v2sf) =	vpush v26, $0xF  }
0x49: {  	(xrf2) =	vadd.scan.msk.f32 $0xffff, v13  }
0x4a: {  	(xrf2) =	vadd.scan.msk.f32 $0xffff, v14;
	_ =	sdelay $0x2  }
0x4b: {  	v21 =	vadd.f32 v9, v10;
	v14 =	vadd.f32 v8, v18;
	v13, _, _ =	vpop (xrf2)  }
0x4c: {  	v26, _, _ =	vpop (xrf2)  }
0x4d: {  	v14 =	vadd.f32 v21, v14;
	(v2sf) =	vpush v13, $0xF;
	v13, _, _ =	vpop (xrf2)  }
0x4e: {  	(v2sf) =	vpush v13, $0xF  }
0x4f: {  	(xrf2) =	vadd.scan.msk.f32 $0xffff, v14;
	(v2sf) =	vpush v26, $0xF;
	_ =	sdelay $0x1  }
0x50: {  	v13, _, _ =	vpop (xrf2)  }
0x51: {  	(v2sf) =	vpush v13, $0xF;
	v13, _, _ =	vpop (xrf2)  }
0x52: {  	(v2sf) =	vpush v13, $0xF  }
0x53: {  	s29 =	spop (v2sf)  }
0x54: {  	s28 =	spop (v2sf)  }
0x55: {  	s28 =	smul.f32 $1.562500000e-02, s28;
	_ =	sdelay $0x1  }
0x56: {  	s26 =	smul.f32 $1.562500000e-02, s29;
	v13 =	vmov s28  }
0x57: {  	v14, _, _ =	vpop (xrf2);
	v13 =	vadd.f32 $0.0e+00, v13  }
0x58: {  	(v2sf) =	vpush v14, $0xF;
	v21 =	vmov s26  }
0x59: {  	v14 =	vadd.f32 $0.0e+00, v21;
	v21 =	vmul.f32 v13, v13  }
0x5a: {  	s30 =	spop (v2sf);
	v26 =	vbroadcast v13, $0x0  }
0x5b: {  	s26 =	smul.f32 $1.562500000e-02, s30;
	s28 =	spop (v2sf);
	v21 =	vsub.f32 v14, v21  }
0x5c: {  	s28 =	smul.f32 $1.562500000e-02, s28;
	s29 =	spop (v2sf);
	v14 =	vsub.f32 v12, v26;
	v13 =	vsub.f32 v11, v26  }
0x5d: {  	s31 =	smul.f32 $1.562500000e-02, s29;
	v12 =	vmov s26;
	v15 =	vsub.f32 v15, v26;
	v21 =	vadd.f32 $9.999999740e-06, v21  }
0x5e: {  	v11 =	vsub.f32 v16, v26;
	v16 =	vmov s28;
	v12 =	vadd.f32 $0.0e+00, v12  }
0x5f: {  	v26 =	vmov s31;
	v16 =	vadd.f32 $0.0e+00, v16;
	s28 =	spop (v2sf);
	v21 =	vbroadcast v21, $0x0  }
0x60: {  	v28 =	vadd.f32 $0.0e+00, v26;
	v29 =	vmul.f32 v12, v12;
	s29 =	spop (v2sf);
	v12 =	vbroadcast v12, $0x0  }
0x61: {  	v31 =	vbroadcast v16, $0x0;
	s26 =	smul.f32 $1.562500000e-02, s29;
	v26 =	vmul.f32 $5.000000000e-01, v21;
	v21 =	vshra.s32 v21, $0x1  }
0x62: {  	v28 =	vsub.f32 v28, v29;
	v22 =	vsub.f32 v22, v12;
	v30 =	vsub.s32 $0x5F3759DF, v21  }
0x63: {  	v23 =	vsub.f32 v23, v12;
	v59 =	vmov s26;
	v29 =	vmul.f32 v30, v26  }
0x64: {  	v16 =	vmul.f32 v16, v16;
	v32 =	vadd.f32 $0.0e+00, v59;
	v28 =	vadd.f32 $9.999999740e-06, v28  }
0x65: {  	v21 =	vsub.f32 v20, v12;
	v20 =	vsub.f32 v24, v12;
	v24 =	vmul.f32 v30, v29  }
0x66: {  	v17 =	vsub.f32 v17, v31;
	v16 =	vsub.f32 v32, v16;
	v28 =	vbroadcast v28, $0x0  }
0x67: {  	v12 =	vsub.f32 v27, v31;
	s31 =	spop (v2sf);
	v27 =	vsub.f32 $1.500000000e+00, v24  }
0x68: {  	s26 =	smul.f32 $1.562500000e-02, s31;
	v32 =	vadd.f32 $9.999999740e-06, v16;
	v24 =	vmul.f32 $5.000000000e-01, v28;
	v28 =	vshra.s32 v28, $0x1  }
0x69: {  	s30 =	smul.f32 $1.562500000e-02, s28;
	v16 =	vsub.f32 v25, v31;
	v28 =	vsub.s32 $0x5F3759DF, v28;
	v34 =	vmul.f32 v30, v27  }
0x6a: {  	v25 =	vmov s26;
	v27 =	vbroadcast v32, $0x0;
	v30 =	vmul.f32 v28, v24  }
0x6b: {  	v29 =	vmov s30;
	v60 =	vadd.f32 $0.0e+00, v25;
	v61 =	vmul.f32 v34, v26  }
0x6c: {  	v25 =	vmul.f32 $5.000000000e-01, v27;
	v27 =	vshra.s32 v27, $0x1;
	v35 =	vmul.f32 v28, v30  }
0x6d: {  	v29 =	vadd.f32 $0.0e+00, v29;
	v36 =	vmul.f32 v60, v60;
	v30 =	vsub.s32 $0x5F3759DF, v27  }
0x6e: {  	v37 =	vmul.f32 v30, v25;
	v35 =	vsub.f32 $1.500000000e+00, v35;
	v33 =	vmul.f32 v61, v34  }
0x6f: {  	v19 =	vsub.f32 v19, v31;
	v29 =	vsub.f32 v29, v36;
	v27 =	vbroadcast v60, $0x0  }
0x70: {  	v62 =	vmul.f32 v30, v37;
	v28 =	vmul.f32 v28, v35;
	v63 =	vsub.f32 $1.500000000e+00, v33  }
0x71: {  	v31 =	vadd.f32 $9.999999740e-06, v29;
	v18 =	vsub.f32 v18, v27  }
0x72: {  	s28 =	simm.s32 $0x400;
	s26 =	sadd.s32 $0x100, s24;
	v32 =	vsub.f32 $1.500000000e+00, v62;
	v33 =	vmul.f32 v28, v24;
	v29 =	vmul.f32 v63, v34  }
.LBB2_3:
0x73: {  	p0 =	sne.s32 s28, $0x7C00;
	v10 =	vsub.f32 v10, v27;
	v9 =	vsub.f32 v9, v27;
	s29 =	smov.u32 s28;
	s28 =	sadd.s32 $0x400, s28  }
0x74: {  	v8 =	vsub.f32 v8, v27;
	v30 =	vmul.f32 v30, v32;
	v32 =	vmul.f32 v33, v28  }
0x75: {  	v27 =	vbroadcast v31, $0x0;
	v26 =	vmul.f32 v29, v26  }
0x76: {  	v31 =	vmul.f32 v30, v25;
	v32 =	vsub.f32 $1.500000000e+00, v32  }
0x77: {  	v33 =	vmul.f32 $5.000000000e-01, v27;
	v27 =	vshra.s32 v27, $0x1;
	v26 =	vmul.f32 v26, v29  }
0x78: {  	v27 =	vsub.s32 $0x5F3759DF, v27;
	v31 =	vmul.f32 v31, v30;
	v28 =	vmul.f32 v32, v28  }
0x79: {  	v26 =	vsub.f32 $1.500000000e+00, v26;
	v32 =	vmul.f32 v27, v33  }
0x7a: {  	v31 =	vsub.f32 $1.500000000e+00, v31;
	v24 =	vmul.f32 v28, v24  }
0x7b: {  	v26 =	vmul.f32 v26, v29;
	v29 =	vmul.f32 v27, v32  }
0x7c: {  	v30 =	vmul.f32 v31, v30;
	v24 =	vmul.f32 v24, v28  }
0x7d: {  	v14 =	vmul.f32 v26, v14;
	v13 =	vmul.f32 v26, v13;
	v29 =	vsub.f32 $1.500000000e+00, v29  }
0x7e: {  	v15 =	vmul.f32 v26, v15;
	v25 =	vmul.f32 v30, v25;
	v24 =	vsub.f32 $1.500000000e+00, v24  }
0x7f: {  	v13 =	vmul.f32 v13, v3;
	v27 =	vmul.f32 v27, v29  }
0x80: {  	v25 =	vmul.f32 v25, v30;
	v24 =	vmul.f32 v24, v28  }
0x81: {  	v14 =	vmul.f32 v14, v0;
	v13 =	vadd.f32 v13, v7;
	v28 =	vmul.f32 v27, v33  }
0x82: {  	v25 =	vsub.f32 $1.500000000e+00, v25;
	v21 =	vmul.f32 v24, v21;
	v22 =	vmul.f32 v24, v22  }
0x83: {  	v14 =	vadd.f32 v14, v4;
	v23 =	vmul.f32 v24, v23;
	[tilespmem:s25+$0x1B0] =	vst v13;
	v13 =	vmul.f32 v28, v27  }
0x84: {  	v25 =	vmul.f32 v25, v30;
	v21 =	vmul.f32 v21, v0  }
0x85: {  	v20 =	vmul.f32 v24, v20;
	[tilespmem:s25+$0x180] =	vst v14;
	v14 =	vmul.f32 v15, v2;
	v13 =	vsub.f32 $1.500000000e+00, v13  }
0x86: {  	v11 =	vmul.f32 v26, v11;
	v15 =	vadd.f32 v21, v4;
	v21 =	vmul.f32 v23, v3  }
0x87: {  	v20 =	vmul.f32 v20, v1;
	v14 =	vadd.f32 v14, v6;
	v23 =	vmul.f32 v13, v27  }
0x88: {  	v11 =	vmul.f32 v11, v1;
	[tilespmem:s25+$0x140] =	vst v15;
	v13 =	vadd.f32 v21, v7  }
0x89: {  	v15 =	vadd.f32 v20, v5;
	v20 =	vmul.f32 v22, v2;
	[tilespmem:s25+$0x1A0] =	vst v14;
	v14 =	vmul.f32 v23, v33  }
0x8a: {  	v11 =	vadd.f32 v11, v5;
	[tilespmem:s25+$0x170] =	vst v13  }
0x8b: {  	s29 =	sshra.s32 s29, $0x2;
	v16 =	vmul.f32 v25, v16;
	v13 =	vmul.f32 v25, v12;
	v20 =	vadd.f32 v20, v6;
	[tilespmem:s25+$0x150] =	vst v15  }
0x8c: {  	v15 =	vmul.f32 v25, v17;
	v14 =	vmul.f32 v14, v23;
	v12 =	vld [tilespmem:s29+$0x140];
	[tilespmem:s25+$0x190] =	vst v11  }
0x8d: {  	v16 =	vmul.f32 v16, v2;
	v17 =	vmul.f32 v25, v19  }
0x8e: {  	v19 =	vmul.f32 v13, v0;
	v21 =	vmul.f32 v15, v1;
	v14 =	vsub.f32 $1.500000000e+00, v14;
	v11 =	vld [tilespmem:s29+$0x1B0]  }
0x8f: {  	v22 =	vadd.f32 v16, v6;
	v17 =	vmul.f32 v17, v3;
	v13 =	vld [tilespmem:s29+$0x180]  }
0x90: {  	v24 =	vadd.f32 v19, v4;
	v19 =	vadd.f32 v21, v5;
	v14 =	vmul.f32 v14, v23;
	v15 =	vld [tilespmem:s29+$0x1A0];
	[tilespmem:s25+$0x160] =	vst v20  }
0x91: {  	v16 =	vld [tilespmem:s29+$0x170]  }
0x92: {  	v17 =	vadd.f32 v17, v7;
	v18 =	vmul.f32 v14, v18;
	v8 =	vmul.f32 v14, v8;
	v21 =	vld [tilespmem:s29+$0x190];
	[tilespmem:s25+$0x120] =	vst v22  }
0x93: {  	v10 =	vmul.f32 v14, v10;
	v9 =	vmul.f32 v14, v9;
	v22 =	vld [tilespmem:s29+$0x160];
	[tilespmem:s25+$0x110] =	vst v19  }
0x94: {  	v14 =	vmul.f32 v18, v0;
	v8 =	vmul.f32 v8, v1;
	v20 =	vld [tilespmem:s29+$0x150];
	[tilespmem:s25+$0x130] =	vst v17  }
0x95: {  	v10 =	vmul.f32 v10, v2;
	v19 =	vld [tilespmem:s29+$0x120];
	v23 =	vadd.f32 v11, v15;
	v18 =	vmul.f32 v15, v15;
	[tilespmem:s25+$0x100] =	vst v24  }
0x96: {  	v25 =	vmul.f32 v11, v11;
	v9 =	vmul.f32 v9, v3;
	v14 =	vadd.f32 v14, v4;
	v17 =	vld [tilespmem:s29+$0x110]  }
0x97: {  	v8 =	vadd.f32 v8, v5;
	v24 =	vld [tilespmem:s29+$0x100];
	v26 =	vadd.f32 v21, v13;
	v27 =	vmul.f32 v21, v21  }
0x98: {  	v29 =	vmul.f32 v13, v13;
	v9 =	vadd.f32 v9, v7;
	v28 =	vmul.f32 v22, v22;
	[tilespmem:s25+$0x1C0] =	vst v14  }
0x99: {  	v30 =	vmul.f32 v16, v16;
	v31 =	vadd.f32 v25, v18;
	v14 =	vadd.f32 v16, v22;
	v18 =	vld [tilespmem:s29+$0x1C0];
	[tilespmem:s25+$0x1D0] =	vst v8  }
0x9a: {  	v23 =	vadd.f32 v23, v26;
	v26 =	vadd.f32 v27, v29;
	v8 =	vld [tilespmem:s29+$0x1D0];
	[tilespmem:s25+$0x1F0] =	vst v9  }
0x9b: {  	v10 =	vadd.f32 v10, v6;
	v29 =	vmul.f32 v20, v20;
	v27 =	vmul.f32 v17, v17;
	v9 =	vld [tilespmem:s29+$0x1F0]  }
0x9c: {  	v28 =	vadd.f32 v30, v28;
	v26 =	vadd.f32 v31, v26;
	v25 =	vld [tilespmem:s29+$0x130]  }
0x9d: {  	[tilespmem:s25+$0x1E0] =	vst v10;
	s25 =	smov.u32 s29  }
0x9e: {  	v30 =	vadd.f32 v20, v12;
	v31 =	vmul.f32 v12, v12;
	v10 =	vld [tilespmem:s25+$0x1E0];
	(xrf2) =	vadd.scan.msk.f32 $0xffff, v26  }
0x9f: {  	v26 =	vmul.f32 v19, v19;
	v32 =	vadd.f32 v8, v18  }
0xa0: {  	v33 =	vmul.f32 v24, v24;
	v29 =	vadd.f32 v29, v31;
	v31 =	vmul.f32 v18, v18  }
0xa1: {  	v34 =	vadd.f32 v17, v24;
	v36 =	vmul.f32 v8, v8;
	v35 =	vmul.f32 v25, v25;
	(xrf2) =	vadd.scan.msk.f32 $0xffff, v23  }
0xa2: {  	v14 =	vadd.f32 v14, v30;
	v23 =	vadd.f32 v27, v33;
	v27 =	vmul.f32 v9, v9  }
0xa3: {  	v28 =	vadd.f32 v28, v29;
	v30 =	vadd.f32 v25, v19;
	v29 =	vmul.f32 v10, v10  }
0xa4: {  	v31 =	vadd.f32 v36, v31;
	v26 =	vadd.f32 v35, v26;
	(xrf2) =	vadd.scan.msk.f32 $0xffff, v14  }
0xa5: {  	v14 =	vadd.f32 v30, v34;
	v27 =	vadd.f32 v27, v29  }
0xa6: {  	v23 =	vadd.f32 v26, v23  }
0xa7: {  	v26 =	vadd.f32 v9, v10;
	v27 =	vadd.f32 v27, v31;
	(xrf2) =	vadd.scan.msk.f32 $0xffff, v28  }
0xa8: {  	v28, _, _ =	vpop (xrf2)  }
0xa9: {  	v26 =	vadd.f32 v26, v32;
	(v2sf) =	vpush v28, $0xF  }
0xaa: {  	(xrf2) =	vadd.scan.msk.f32 $0xffff, v14  }
0xab: {  	v14, _, _ =	vpop (xrf2)  }
0xac: {  	(v2sf) =	vpush v14, $0xF  }
0xad: {  	(xrf2) =	vadd.scan.msk.f32 $0xffff, v27  }
0xae: {  	v14, _, _ =	vpop (xrf2)  }
0xaf: {  	(v2sf) =	vpush v14, $0xF  }
0xb0: {  	(xrf2) =	vadd.scan.msk.f32 $0xffff, v23  }
0xb1: {  	v14, _, _ =	vpop (xrf2);
	_ =	sdelay $0x2  }
0xb2: {  	v23, _, _ =	vpop (xrf2)  }
0xb3: {  	(v2sf) =	vpush v23, $0xF  }
0xb4: {  	(xrf2) =	vadd.scan.msk.f32 $0xffff, v26  }
0xb5: {  	(v2sf) =	vpush v14, $0xF;
	v14, _, _ =	vpop (xrf2)  }
0xb6: {  	s29 =	spop (v2sf);
	(v2sf) =	vpush v14, $0xF  }
0xb7: {  	s29 =	smul.f32 $1.562500000e-02, s29  }
0xb8: {  	v14, _, _ =	vpop (xrf2)  }
0xb9: {  	v23 =	vmov s29;
	(v2sf) =	vpush v14, $0xF;
	s29 =	spop (v2sf)  }
0xba: {  	s29 =	smul.f32 $1.562500000e-02, s29;
	v14 =	vadd.f32 $0.0e+00, v23;
	_ =	sdelay $0x1  }
0xbb: {  	v23 =	vmov s29;
	s29 =	spop (v2sf)  }
0xbc: {  	s29 =	smul.f32 $1.562500000e-02, s29;
	v23 =	vadd.f32 $0.0e+00, v23  }
0xbd: {  	v26, _, _ =	vpop (xrf2)  }
0xbe: {  	v27 =	vmov s29;
	v28 =	vmul.f32 v23, v23;
	(v2sf) =	vpush v26, $0xF  }
0xbf: {  	v23 =	vbroadcast v23, $0x0  }
0xc0: {  	v26 =	vsub.f32 v14, v28  }
0xc1: {  	v14 =	vsub.f32 v13, v23;
	v13 =	vsub.f32 v11, v23;
	s29 =	spop (v2sf)  }
0xc2: {  	v15 =	vsub.f32 v15, v23;
	s29 =	smul.f32 $1.562500000e-02, s29;
	v26 =	vadd.f32 $9.999999740e-06, v26  }
0xc3: {  	v11 =	vsub.f32 v21, v23;
	s30 =	spop (v2sf)  }
0xc4: {  	v21 =	vmov s29;
	s29 =	smul.f32 $1.562500000e-02, s30;
	v23 =	vbroadcast v26, $0x0;
	s30 =	spop (v2sf)  }
0xc5: {  	v28 =	vadd.f32 $0.0e+00, v21;
	v21 =	vadd.f32 $0.0e+00, v27;
	s30 =	smul.f32 $1.562500000e-02, s30  }
0xc6: {  	v27 =	vmov s29;
	v26 =	vmul.f32 $5.000000000e-01, v23;
	v23 =	vshra.s32 v23, $0x1  }
0xc7: {  	v27 =	vadd.f32 $0.0e+00, v27;
	v29 =	vmul.f32 v21, v21;
	v31 =	vmov s30;
	s29 =	spop (v2sf)  }
0xc8: {  	v30 =	vbroadcast v28, $0x0;
	v32 =	vbroadcast v21, $0x0;
	v33 =	vsub.s32 $0x5F3759DF, v23;
	s29 =	smul.f32 $1.562500000e-02, s29  }
0xc9: {  	v23 =	vsub.f32 v27, v29;
	v27 =	vmul.f32 v33, v26  }
0xca: {  	v21 =	vsub.f32 v12, v32;
	v22 =	vsub.f32 v22, v32;
	v29 =	vmov s29  }
0xcb: {  	v28 =	vmul.f32 v28, v28;
	v12 =	vadd.f32 $0.0e+00, v29;
	v29 =	vadd.f32 $9.999999740e-06, v23  }
0xcc: {  	v20 =	vsub.f32 v20, v32;
	v23 =	vsub.f32 v16, v32;
	v27 =	vmul.f32 v33, v27  }
0xcd: {  	v28 =	vsub.f32 v12, v28;
	v12 =	vsub.f32 v24, v30;
	v29 =	vbroadcast v29, $0x0;
	s29 =	spop (v2sf)  }
0xce: {  	v16 =	vsub.f32 v19, v30;
	v19 =	vsub.f32 $1.500000000e+00, v27;
	s29 =	smul.f32 $1.562500000e-02, s29  }
0xcf: {  	v27 =	vadd.f32 $9.999999740e-06, v28;
	v24 =	vmul.f32 $5.000000000e-01, v29;
	v28 =	vshra.s32 v29, $0x1  }
0xd0: {  	v29 =	vmul.f32 v33, v19;
	v28 =	vsub.s32 $0x5F3759DF, v28;
	v19 =	vmov s29  }
0xd1: {  	v27 =	vbroadcast v27, $0x0;
	v32 =	vmul.f32 v28, v24;
	v33 =	vadd.f32 $0.0e+00, v19  }
0xd2: {  	v17 =	vsub.f32 v17, v30;
	v19 =	vsub.f32 v25, v30;
	v34 =	vmul.f32 v29, v26  }
0xd3: {  	v25 =	vmul.f32 $5.000000000e-01, v27;
	v27 =	vshra.s32 v27, $0x1;
	v32 =	vmul.f32 v28, v32  }
0xd4: {  	v31 =	vadd.f32 $0.0e+00, v31;
	v35 =	vmul.f32 v33, v33;
	v30 =	vsub.s32 $0x5F3759DF, v27  }
.Ltmp0:
0xd5: {  	v34 =	vmul.f32 v34, v29;
	v36 =	vmul.f32 v30, v25;
	v32 =	vsub.f32 $1.500000000e+00, v32;
	(pc) =	sbr.rel @p0 .LBB2_3-.Ltmp0, $4  }
0xd6: {  	v27 =	vbroadcast v33, $0x0;
	v31 =	vsub.f32 v31, v35  }
0xd7: {  	v34 =	vsub.f32 $1.500000000e+00, v34;
	v33 =	vmul.f32 v30, v36;
	v28 =	vmul.f32 v28, v32  }
0xd8: {  	v18 =	vsub.f32 v18, v27;
	v31 =	vadd.f32 $9.999999740e-06, v31  }
0xd9: {  	v29 =	vmul.f32 v34, v29;
	v32 =	vsub.f32 $1.500000000e+00, v33;
	v33 =	vmul.f32 v28, v24  }
0xda: {  	v31 =	vbroadcast v31, $0x0  }
0xdb: {  	v30 =	vmul.f32 v30, v32  }
0xdc: {  	v52 =	vmul.f32 v33, v28;
	v53 =	vmul.f32 $5.000000000e-01, v31;
	v31 =	vshra.s32 v31, $0x1  }
0xdd: {  	v26 =	vmul.f32 v29, v26;
	v34 =	vmul.f32 v30, v25;
	v31 =	vsub.s32 $0x5F3759DF, v31  }
0xde: {  	v32 =	vsub.f32 $1.500000000e+00, v52;
	v35 =	vmul.f32 v31, v53  }
0xdf: {  	v26 =	vmul.f32 v26, v29;
	v34 =	vmul.f32 v34, v30  }
0xe0: {  	v28 =	vmul.f32 v32, v28;
	v54 =	vmul.f32 v31, v35  }
0xe1: {  	v26 =	vsub.f32 $1.500000000e+00, v26;
	v34 =	vsub.f32 $1.500000000e+00, v34  }
0xe2: {  	v24 =	vmul.f32 v28, v24;
	v32 =	vsub.f32 $1.500000000e+00, v54  }
0xe3: {  	v26 =	vmul.f32 v26, v29;
	v29 =	vmul.f32 v34, v30  }
0xe4: {  	v24 =	vmul.f32 v24, v28;
	v30 =	vmul.f32 v31, v32  }
0xe5: {  	v14 =	vmul.f32 v26, v14  }
0xe6: {  	v13 =	vmul.f32 v26, v13;
	v24 =	vsub.f32 $1.500000000e+00, v24;
	v31 =	vmul.f32 v30, v53  }
0xe7: {  	v15 =	vmul.f32 v26, v15;
	v11 =	vmul.f32 v26, v11  }
0xe8: {  	v24 =	vmul.f32 v24, v28;
	v28 =	vmul.f32 v31, v30  }
0xe9: {  	v10 =	vsub.f32 v10, v27;
	v25 =	vmul.f32 v29, v25;
	v13 =	vmul.f32 v13, v3  }
0xea: {  	v14 =	vmul.f32 v14, v0;
	v15 =	vmul.f32 v15, v2;
	v28 =	vsub.f32 $1.500000000e+00, v28  }
0xeb: {  	v9 =	vsub.f32 v9, v27;
	v25 =	vmul.f32 v25, v29;
	v21 =	vmul.f32 v24, v21  }
0xec: {  	v14 =	vadd.f32 v14, v4;
	v22 =	vmul.f32 v24, v22;
	v28 =	vmul.f32 v28, v30  }
0xed: {  	v25 =	vsub.f32 $1.500000000e+00, v25;
	v23 =	vmul.f32 v24, v23;
	v20 =	vmul.f32 v24, v20  }
0xee: {  	v13 =	vadd.f32 v13, v7;
	v21 =	vmul.f32 v21, v0;
	v24 =	vmul.f32 v28, v53  }
0xef: {  	v11 =	vmul.f32 v11, v1;
	[tilespmem:s25+$0x180] =	vst v14;
	v14 =	vadd.f32 v15, v6;
	v25 =	vmul.f32 v25, v29  }
0xf0: {  	[tilespmem:s25+$0x1B0] =	vst v13;
	v23 =	vmul.f32 v23, v3;
	v13 =	vadd.f32 v21, v4;
	v21 =	vmul.f32 v24, v28  }
0xf1: {  	v8 =	vsub.f32 v8, v27;
	v20 =	vmul.f32 v20, v1;
	v16 =	vmul.f32 v25, v16  }
0xf2: {  	[tilespmem:s25+$0x1A0] =	vst v14;
	v15 =	vadd.f32 v23, v7;
	v14 =	vmul.f32 v25, v17;
	v21 =	vsub.f32 $1.500000000e+00, v21  }
0xf3: {  	v11 =	vadd.f32 v11, v5;
	[tilespmem:s25+$0x140] =	vst v13;
	v13 =	vmul.f32 v22, v2;
	v16 =	vmul.f32 v16, v2  }
0xf4: {  	v20 =	vadd.f32 v20, v5;
	[tilespmem:s25+$0x170] =	vst v15;
	v15 =	vmul.f32 v25, v19;
	v17 =	vmul.f32 v21, v28  }
0xf5: {  	[tilespmem:s25+$0x190] =	vst v11;
	v12 =	vmul.f32 v25, v12;
	v14 =	vmul.f32 v14, v1;
	v13 =	vadd.f32 v13, v6  }
0xf6: {  	[tilespmem:s25+$0x150] =	vst v20;
	v11 =	vadd.f32 v16, v6;
	v15 =	vmul.f32 v15, v3;
	v16 =	vmul.f32 v17, v18  }
0xf7: {  	v12 =	vmul.f32 v12, v0;
	v14 =	vadd.f32 v14, v5;
	[tilespmem:s25+$0x160] =	vst v13;
	v8 =	vmul.f32 v17, v8  }
0xf8: {  	[tilespmem:s25+$0x120] =	vst v11;
	v11 =	vadd.f32 v15, v7;
	v9 =	vmul.f32 v17, v9;
	v13 =	vmul.f32 v16, v0  }
0xf9: {  	v12 =	vadd.f32 v12, v4;
	[tilespmem:s25+$0x110] =	vst v14;
	v10 =	vmul.f32 v17, v10;
	v8 =	vmul.f32 v8, v1  }
0xfa: {  	[tilespmem:s25+$0x130] =	vst v11;
	v9 =	vmul.f32 v9, v3;
	v11 =	vadd.f32 v13, v4  }
0xfb: {  	[tilespmem:s25+$0x100] =	vst v12;
	v10 =	vmul.f32 v10, v2;
	v8 =	vadd.f32 v8, v5  }
0xfc: {  	v9 =	vadd.f32 v9, v7;
	[tilespmem:s25+$0x1C0] =	vst v11  }
0xfd: {  	[tilespmem:s25+$0x1D0] =	vst v8;
	v8 =	vadd.f32 v10, v6  }
0xfe: {  	s24 =	sshll.u32 s24, $0x3;
	[tilespmem:s25+$0x1F0] =	vst v9  }
0xff: {  	p0 =	seq.s32 s22, $0x63;
	s24 =	sadd.s32 s4, s24;
	[tilespmem:s25+$0x1E0] =	vst v8  }
0x100: {  	[hbm4b:s24+s5] =	stream.linear.scatter [tilespmem:s15], [sflag:$0x3], $0x2000, $0x38;
	[tilespmem:$0x4180] =	vst v63  }
0x101: {  	s24 =	simm.s32 @!p0 $0x3  }
0x102: {  	_ =	swait.ge @!p0 [sflag:s24], $0x2000  }
0x103: {  	s25 =	sshrl.u32 @!p0 s26, $0x3;
	[sflag:s24] =	ssyncset.done @!p0 $0x0  }
0x104: {  	[sflag:s24] =	ssyncadd.s32 @!p0 $0xFFFFE000;
	s24 =	sadd.s32 @!p0 s7, s25;
	s25 =	simm.s32 @!p0 $0x0  }
0x105: {  	[tilespmem:s25], [sflag:$0x5] =	stream.linear.gather @!p0 [hbm4b:s24+s25], $0x80, $0x38;
	[tilespmem:$0x4180] =	vst v63  }
0x106: {  	s24 =	simm.s32 @!p0 $0x5  }
0x107: {  	_ =	swait.ge @!p0 [sflag:s24], $0x80  }
0x108: {  	[sflag:s24] =	ssyncset.done @!p0 $0x0  }
0x109: {  	s26 =	simm.s32 @!p0 $0x100;
	[sflag:s24] =	ssyncadd.s32 @!p0 $0xFFFFFF80;
	s24 =	simm.s32 @!p0 $0x80  }
0x10a: {  	[tilespmem:s26], [sflag:$0x1] =	stream.indirect.gather @!p0 [hbm4b:s8+s24], $0x40, s25, s24, $0xb8;
	[tilespmem:$0x4180] =	vst v63  }
0x10b: {  	_ =	swait.ge [sflag:s18], $0x2000  }
0x10c: {  	[sflag:s18] =	ssyncset.done $0x0  }
0x10d: {  	s24 =	simm.s32 $0x0;
	[sflag:s18] =	ssyncadd.s32 $0xFFFFE000  }
0x10e: {  	v11 =	vld [tilespmem:s24+$0x21B0]  }
0x10f: {  	v12 =	vld [tilespmem:s24+$0x2180]  }
0x110: {  	v15 =	vld [tilespmem:s24+$0x21A0]  }
0x111: {  	v16 =	vld [tilespmem:s24+$0x2190];
	_ =	sdelay $0x2  }
0x112: {  	v20 =	vld [tilespmem:s24+$0x2140]  }
0x113: {  	v23 =	vld [tilespmem:s24+$0x2170];
	v8 =	vmul.f32 v15, v15;
	v9 =	vmul.f32 v11, v11  }
0x114: {  	v22 =	vld [tilespmem:s24+$0x2160];
	v10 =	vmul.f32 v16, v16;
	v13 =	vmul.f32 v12, v12  }
0x115: {  	v24 =	vld [tilespmem:s24+$0x2150]  }
0x116: {  	v25 =	vld [tilespmem:s24+$0x2120];
	v8 =	vadd.f32 v9, v8;
	v9 =	vadd.f32 v10, v13  }
0x117: {  	v17 =	vld [tilespmem:s24+$0x2110];
	v10 =	vadd.f32 v11, v15;
	v13 =	vadd.f32 v16, v12  }
0x118: {  	v27 =	vld [tilespmem:s24+$0x2100];
	v9 =	vadd.f32 v8, v9  }
0x119: {  	v19 =	vld [tilespmem:s24+$0x2130];
	v10 =	vadd.f32 v10, v13  }
0x11a: {  	(xrf2) =	vadd.scan.msk.f32 $0xffff, v9;
	v9 =	vld [tilespmem:s24+$0x21F0]  }
0x11b: {  	v14 =	vmul.f32 v23, v23;
	v13 =	vmul.f32 v22, v22;
	(xrf2) =	vadd.scan.msk.f32 $0xffff, v10;
	v10 =	vld [tilespmem:s24+$0x21E0]  }
0x11c: {  	v18 =	vld [tilespmem:s24+$0x21C0];
	v21 =	vadd.f32 v23, v22;
	v26 =	vmul.f32 v24, v24;
	v28 =	vmul.f32 v20, v20  }
0x11d: {  	v8 =	vld [tilespmem:s24+$0x21D0];
	v13 =	vadd.f32 v14, v13;
	v14 =	vadd.f32 v24, v20  }
0x11e: {  	v26 =	vadd.f32 v26, v28;
	v28 =	vadd.f32 v17, v27  }
0x11f: {  	v14 =	vadd.f32 v21, v14;
	v21 =	vadd.f32 v19, v25  }
0x120: {  	v13 =	vadd.f32 v13, v26;
	v26 =	vmul.f32 v9, v9;
	v56 =	vmul.f32 v10, v10  }
0x121: {  	v29 =	vmul.f32 v17, v17;
	(xrf2) =	vadd.scan.msk.f32 $0xffff, v14;
	v14 =	vadd.f32 v21, v28;
	v28 =	vmul.f32 v19, v19  }
0x122: {  	v31 =	vmul.f32 v18, v18;
	v55 =	vmul.f32 v8, v8;
	v26 =	vadd.f32 v26, v56  }
0x123: {  	v30 =	vmul.f32 v25, v25;
	v21 =	vmul.f32 v27, v27;
	(xrf2) =	vadd.scan.msk.f32 $0xffff, v13  }
0x124: {  	v13 =	vadd.f32 v55, v31;
	(xrf2) =	vadd.scan.msk.f32 $0xffff, v14  }
0x125: {  	v14 =	vadd.f32 v29, v21;
	v21 =	vadd.f32 v28, v30;
	v28, _, _ =	vpop (xrf2)  }
0x126: {  	v13 =	vadd.f32 v26, v13;
	(v2sf) =	vpush v28, $0xF;
	v26, _, _ =	vpop (xrf2)  }
0x127: {  	v14 =	vadd.f32 v21, v14;
	(v2sf) =	vpush v26, $0xF  }
0x128: {  	(xrf2) =	vadd.scan.msk.f32 $0xffff, v13  }
0x129: {  	(xrf2) =	vadd.scan.msk.f32 $0xffff, v14;
	_ =	sdelay $0x2  }
0x12a: {  	v21 =	vadd.f32 v9, v10;
	v14 =	vadd.f32 v8, v18;
	v13, _, _ =	vpop (xrf2)  }
0x12b: {  	v26, _, _ =	vpop (xrf2)  }
0x12c: {  	v14 =	vadd.f32 v21, v14;
	(v2sf) =	vpush v13, $0xF;
	v13, _, _ =	vpop (xrf2)  }
0x12d: {  	(v2sf) =	vpush v13, $0xF  }
0x12e: {  	(xrf2) =	vadd.scan.msk.f32 $0xffff, v14;
	(v2sf) =	vpush v26, $0xF;
	_ =	sdelay $0x1  }
0x12f: {  	v13, _, _ =	vpop (xrf2)  }
0x130: {  	(v2sf) =	vpush v13, $0xF;
	v13, _, _ =	vpop (xrf2)  }
0x131: {  	(v2sf) =	vpush v13, $0xF  }
0x132: {  	s31 =	spop (v2sf)  }
0x133: {  	s28 =	spop (v2sf)  }
0x134: {  	s26 =	smul.f32 $1.562500000e-02, s28;
	_ =	sdelay $0x1  }
0x135: {  	s25 =	smul.f32 $1.562500000e-02, s31;
	v13 =	vmov s26  }
0x136: {  	v14, _, _ =	vpop (xrf2);
	v13 =	vadd.f32 $0.0e+00, v13  }
0x137: {  	(v2sf) =	vpush v14, $0xF;
	v21 =	vmov s25  }
0x138: {  	v14 =	vadd.f32 $0.0e+00, v21;
	v21 =	vmul.f32 v13, v13  }
0x139: {  	s29 =	spop (v2sf);
	v26 =	vbroadcast v13, $0x0  }
0x13a: {  	s25 =	smul.f32 $1.562500000e-02, s29;
	s30 =	spop (v2sf);
	v21 =	vsub.f32 v14, v21  }
0x13b: {  	s26 =	smul.f32 $1.562500000e-02, s30;
	s28 =	spop (v2sf);
	v14 =	vsub.f32 v12, v26;
	v13 =	vsub.f32 v11, v26  }
0x13c: {  	s31 =	smul.f32 $1.562500000e-02, s28;
	v12 =	vmov s25;
	v15 =	vsub.f32 v15, v26;
	v21 =	vadd.f32 $9.999999740e-06, v21  }
0x13d: {  	v11 =	vsub.f32 v16, v26;
	v16 =	vmov s26;
	v12 =	vadd.f32 $0.0e+00, v12  }
0x13e: {  	v26 =	vmov s31;
	v16 =	vadd.f32 $0.0e+00, v16;
	s28 =	spop (v2sf);
	v21 =	vbroadcast v21, $0x0  }
0x13f: {  	v28 =	vadd.f32 $0.0e+00, v26;
	v29 =	vmul.f32 v12, v12;
	s29 =	spop (v2sf);
	v12 =	vbroadcast v12, $0x0  }
0x140: {  	v31 =	vbroadcast v16, $0x0;
	s25 =	smul.f32 $1.562500000e-02, s29;
	v26 =	vmul.f32 $5.000000000e-01, v21;
	v21 =	vshra.s32 v21, $0x1  }
0x141: {  	v28 =	vsub.f32 v28, v29;
	v22 =	vsub.f32 v22, v12;
	v30 =	vsub.s32 $0x5F3759DF, v21  }
0x142: {  	v23 =	vsub.f32 v23, v12;
	v57 =	vmov s25;
	v29 =	vmul.f32 v30, v26  }
0x143: {  	v16 =	vmul.f32 v16, v16;
	v32 =	vadd.f32 $0.0e+00, v57;
	v28 =	vadd.f32 $9.999999740e-06, v28  }
0x144: {  	v21 =	vsub.f32 v20, v12;
	v20 =	vsub.f32 v24, v12;
	v24 =	vmul.f32 v30, v29  }
0x145: {  	v17 =	vsub.f32 v17, v31;
	v16 =	vsub.f32 v32, v16;
	v28 =	vbroadcast v28, $0x0  }
0x146: {  	v12 =	vsub.f32 v27, v31;
	s31 =	spop (v2sf);
	v27 =	vsub.f32 $1.500000000e+00, v24  }
0x147: {  	s25 =	smul.f32 $1.562500000e-02, s31;
	v32 =	vadd.f32 $9.999999740e-06, v16;
	v24 =	vmul.f32 $5.000000000e-01, v28;
	v28 =	vshra.s32 v28, $0x1  }
0x148: {  	s30 =	smul.f32 $1.562500000e-02, s28;
	v16 =	vsub.f32 v25, v31;
	v28 =	vsub.s32 $0x5F3759DF, v28;
	v58 =	vmul.f32 v30, v27  }
0x149: {  	v25 =	vmov s25;
	v27 =	vbroadcast v32, $0x0;
	v30 =	vmul.f32 v28, v24  }
0x14a: {  	v29 =	vmov s30;
	v59 =	vadd.f32 $0.0e+00, v25;
	v60 =	vmul.f32 v58, v26  }
0x14b: {  	v25 =	vmul.f32 $5.000000000e-01, v27;
	v27 =	vshra.s32 v27, $0x1;
	v61 =	vmul.f32 v28, v30  }
0x14c: {  	v29 =	vadd.f32 $0.0e+00, v29;
	v36 =	vmul.f32 v59, v59;
	v30 =	vsub.s32 $0x5F3759DF, v27  }
0x14d: {  	v37 =	vmul.f32 v30, v25;
	v35 =	vsub.f32 $1.500000000e+00, v61;
	v33 =	vmul.f32 v60, v58  }
0x14e: {  	v19 =	vsub.f32 v19, v31;
	v29 =	vsub.f32 v29, v36;
	v27 =	vbroadcast v59, $0x0  }
0x14f: {  	v62 =	vmul.f32 v30, v37;
	v28 =	vmul.f32 v28, v35;
	v63 =	vsub.f32 $1.500000000e+00, v33  }
0x150: {  	v31 =	vadd.f32 $9.999999740e-06, v29;
	v18 =	vsub.f32 v18, v27  }
0x151: {  	s25 =	simm.s32 $0x400;
	v32 =	vsub.f32 $1.500000000e+00, v62;
	v33 =	vmul.f32 v28, v24;
	v29 =	vmul.f32 v63, v58  }
.LBB2_5:
0x152: {  	p0 =	sne.s32 s25, $0x7C00;
	v10 =	vsub.f32 v10, v27;
	v9 =	vsub.f32 v9, v27;
	s26 =	smov.u32 s25;
	s25 =	sadd.s32 $0x400, s25  }
0x153: {  	v8 =	vsub.f32 v8, v27;
	v30 =	vmul.f32 v30, v32;
	v32 =	vmul.f32 v33, v28  }
0x154: {  	v27 =	vbroadcast v31, $0x0;
	v26 =	vmul.f32 v29, v26  }
0x155: {  	v31 =	vmul.f32 v30, v25;
	v32 =	vsub.f32 $1.500000000e+00, v32  }
0x156: {  	v33 =	vmul.f32 $5.000000000e-01, v27;
	v27 =	vshra.s32 v27, $0x1;
	v26 =	vmul.f32 v26, v29  }
0x157: {  	v27 =	vsub.s32 $0x5F3759DF, v27;
	v31 =	vmul.f32 v31, v30;
	v28 =	vmul.f32 v32, v28  }
0x158: {  	v26 =	vsub.f32 $1.500000000e+00, v26;
	v32 =	vmul.f32 v27, v33  }
0x159: {  	v31 =	vsub.f32 $1.500000000e+00, v31;
	v24 =	vmul.f32 v28, v24  }
0x15a: {  	v26 =	vmul.f32 v26, v29;
	v29 =	vmul.f32 v27, v32  }
0x15b: {  	v30 =	vmul.f32 v31, v30;
	v24 =	vmul.f32 v24, v28  }
0x15c: {  	v14 =	vmul.f32 v26, v14;
	v13 =	vmul.f32 v26, v13;
	v29 =	vsub.f32 $1.500000000e+00, v29  }
0x15d: {  	v15 =	vmul.f32 v26, v15;
	v25 =	vmul.f32 v30, v25;
	v24 =	vsub.f32 $1.500000000e+00, v24  }
0x15e: {  	v13 =	vmul.f32 v13, v3;
	v27 =	vmul.f32 v27, v29  }
0x15f: {  	v25 =	vmul.f32 v25, v30;
	v24 =	vmul.f32 v24, v28  }
0x160: {  	v14 =	vmul.f32 v14, v0;
	v13 =	vadd.f32 v13, v7;
	v28 =	vmul.f32 v27, v33  }
0x161: {  	v25 =	vsub.f32 $1.500000000e+00, v25;
	v21 =	vmul.f32 v24, v21;
	v22 =	vmul.f32 v24, v22  }
0x162: {  	v14 =	vadd.f32 v14, v4;
	v23 =	vmul.f32 v24, v23;
	[tilespmem:s24+$0x21B0] =	vst v13;
	v13 =	vmul.f32 v28, v27  }
0x163: {  	v25 =	vmul.f32 v25, v30;
	v21 =	vmul.f32 v21, v0  }
0x164: {  	v20 =	vmul.f32 v24, v20;
	[tilespmem:s24+$0x2180] =	vst v14;
	v14 =	vmul.f32 v15, v2;
	v13 =	vsub.f32 $1.500000000e+00, v13  }
0x165: {  	v11 =	vmul.f32 v26, v11;
	v15 =	vadd.f32 v21, v4;
	v21 =	vmul.f32 v23, v3  }
0x166: {  	v20 =	vmul.f32 v20, v1;
	v14 =	vadd.f32 v14, v6;
	v23 =	vmul.f32 v13, v27  }
0x167: {  	v11 =	vmul.f32 v11, v1;
	[tilespmem:s24+$0x2140] =	vst v15;
	v13 =	vadd.f32 v21, v7  }
0x168: {  	v15 =	vadd.f32 v20, v5;
	v20 =	vmul.f32 v22, v2;
	[tilespmem:s24+$0x21A0] =	vst v14;
	v14 =	vmul.f32 v23, v33  }
0x169: {  	v11 =	vadd.f32 v11, v5;
	[tilespmem:s24+$0x2170] =	vst v13  }
0x16a: {  	s26 =	sshra.s32 s26, $0x2;
	v16 =	vmul.f32 v25, v16;
	v13 =	vmul.f32 v25, v12;
	v20 =	vadd.f32 v20, v6;
	[tilespmem:s24+$0x2150] =	vst v15  }
0x16b: {  	v15 =	vmul.f32 v25, v17;
	v14 =	vmul.f32 v14, v23;
	v12 =	vld [tilespmem:s26+$0x2140];
	[tilespmem:s24+$0x2190] =	vst v11  }
0x16c: {  	v16 =	vmul.f32 v16, v2;
	v17 =	vmul.f32 v25, v19  }
0x16d: {  	v19 =	vmul.f32 v13, v0;
	v21 =	vmul.f32 v15, v1;
	v14 =	vsub.f32 $1.500000000e+00, v14;
	v11 =	vld [tilespmem:s26+$0x21B0]  }
0x16e: {  	v22 =	vadd.f32 v16, v6;
	v17 =	vmul.f32 v17, v3;
	v13 =	vld [tilespmem:s26+$0x2180]  }
0x16f: {  	v24 =	vadd.f32 v19, v4;
	v19 =	vadd.f32 v21, v5;
	v14 =	vmul.f32 v14, v23;
	v15 =	vld [tilespmem:s26+$0x21A0];
	[tilespmem:s24+$0x2160] =	vst v20  }
0x170: {  	v16 =	vld [tilespmem:s26+$0x2170]  }
0x171: {  	v17 =	vadd.f32 v17, v7;
	v18 =	vmul.f32 v14, v18;
	v8 =	vmul.f32 v14, v8;
	v21 =	vld [tilespmem:s26+$0x2190];
	[tilespmem:s24+$0x2120] =	vst v22  }
0x172: {  	v10 =	vmul.f32 v14, v10;
	v9 =	vmul.f32 v14, v9;
	v22 =	vld [tilespmem:s26+$0x2160];
	[tilespmem:s24+$0x2110] =	vst v19  }
0x173: {  	v14 =	vmul.f32 v18, v0;
	v8 =	vmul.f32 v8, v1;
	v20 =	vld [tilespmem:s26+$0x2150];
	[tilespmem:s24+$0x2130] =	vst v17  }
0x174: {  	v10 =	vmul.f32 v10, v2;
	v19 =	vld [tilespmem:s26+$0x2120];
	v23 =	vadd.f32 v11, v15;
	v18 =	vmul.f32 v15, v15;
	[tilespmem:s24+$0x2100] =	vst v24  }
0x175: {  	v25 =	vmul.f32 v11, v11;
	v9 =	vmul.f32 v9, v3;
	v14 =	vadd.f32 v14, v4;
	v17 =	vld [tilespmem:s26+$0x2110]  }
0x176: {  	v8 =	vadd.f32 v8, v5;
	v24 =	vld [tilespmem:s26+$0x2100];
	v26 =	vadd.f32 v21, v13;
	v27 =	vmul.f32 v21, v21  }
0x177: {  	v29 =	vmul.f32 v13, v13;
	v9 =	vadd.f32 v9, v7;
	v28 =	vmul.f32 v22, v22;
	[tilespmem:s24+$0x21C0] =	vst v14  }
0x178: {  	v30 =	vmul.f32 v16, v16;
	v31 =	vadd.f32 v25, v18;
	v14 =	vadd.f32 v16, v22;
	v18 =	vld [tilespmem:s26+$0x21C0];
	[tilespmem:s24+$0x21D0] =	vst v8  }
0x179: {  	v23 =	vadd.f32 v23, v26;
	v26 =	vadd.f32 v27, v29;
	v8 =	vld [tilespmem:s26+$0x21D0];
	[tilespmem:s24+$0x21F0] =	vst v9  }
0x17a: {  	v10 =	vadd.f32 v10, v6;
	v29 =	vmul.f32 v20, v20;
	v27 =	vmul.f32 v17, v17;
	v9 =	vld [tilespmem:s26+$0x21F0]  }
0x17b: {  	v28 =	vadd.f32 v30, v28;
	v26 =	vadd.f32 v31, v26;
	v25 =	vld [tilespmem:s26+$0x2130]  }
0x17c: {  	[tilespmem:s24+$0x21E0] =	vst v10;
	s24 =	smov.u32 s26  }
0x17d: {  	v30 =	vadd.f32 v20, v12;
	v31 =	vmul.f32 v12, v12;
	v10 =	vld [tilespmem:s24+$0x21E0];
	(xrf2) =	vadd.scan.msk.f32 $0xffff, v26  }
0x17e: {  	v26 =	vmul.f32 v19, v19;
	v32 =	vadd.f32 v8, v18  }
0x17f: {  	v33 =	vmul.f32 v24, v24;
	v29 =	vadd.f32 v29, v31;
	v31 =	vmul.f32 v18, v18  }
0x180: {  	v34 =	vadd.f32 v17, v24;
	v36 =	vmul.f32 v8, v8;
	v35 =	vmul.f32 v25, v25;
	(xrf2) =	vadd.scan.msk.f32 $0xffff, v23  }
0x181: {  	v14 =	vadd.f32 v14, v30;
	v23 =	vadd.f32 v27, v33;
	v27 =	vmul.f32 v9, v9  }
0x182: {  	v28 =	vadd.f32 v28, v29;
	v30 =	vadd.f32 v25, v19;
	v29 =	vmul.f32 v10, v10  }
0x183: {  	v31 =	vadd.f32 v36, v31;
	v26 =	vadd.f32 v35, v26;
	(xrf2) =	vadd.scan.msk.f32 $0xffff, v14  }
0x184: {  	v14 =	vadd.f32 v30, v34;
	v27 =	vadd.f32 v27, v29  }
0x185: {  	v23 =	vadd.f32 v26, v23  }
0x186: {  	v26 =	vadd.f32 v9, v10;
	v27 =	vadd.f32 v27, v31;
	(xrf2) =	vadd.scan.msk.f32 $0xffff, v28  }
0x187: {  	v28, _, _ =	vpop (xrf2)  }
0x188: {  	v26 =	vadd.f32 v26, v32;
	(v2sf) =	vpush v28, $0xF  }
0x189: {  	(xrf2) =	vadd.scan.msk.f32 $0xffff, v14  }
0x18a: {  	v14, _, _ =	vpop (xrf2)  }
0x18b: {  	(v2sf) =	vpush v14, $0xF  }
0x18c: {  	(xrf2) =	vadd.scan.msk.f32 $0xffff, v27  }
0x18d: {  	v14, _, _ =	vpop (xrf2)  }
0x18e: {  	(v2sf) =	vpush v14, $0xF  }
0x18f: {  	(xrf2) =	vadd.scan.msk.f32 $0xffff, v23  }
0x190: {  	v14, _, _ =	vpop (xrf2);
	_ =	sdelay $0x2  }
0x191: {  	v23, _, _ =	vpop (xrf2)  }
0x192: {  	(v2sf) =	vpush v23, $0xF  }
0x193: {  	(xrf2) =	vadd.scan.msk.f32 $0xffff, v26  }
0x194: {  	(v2sf) =	vpush v14, $0xF;
	v14, _, _ =	vpop (xrf2)  }
0x195: {  	s26 =	spop (v2sf);
	(v2sf) =	vpush v14, $0xF  }
0x196: {  	s26 =	smul.f32 $1.562500000e-02, s26  }
0x197: {  	v14, _, _ =	vpop (xrf2)  }
0x198: {  	v23 =	vmov s26;
	(v2sf) =	vpush v14, $0xF;
	s26 =	spop (v2sf)  }
0x199: {  	s26 =	smul.f32 $1.562500000e-02, s26;
	v14 =	vadd.f32 $0.0e+00, v23;
	_ =	sdelay $0x1  }
0x19a: {  	v23 =	vmov s26;
	s26 =	spop (v2sf)  }
0x19b: {  	s26 =	smul.f32 $1.562500000e-02, s26;
	v23 =	vadd.f32 $0.0e+00, v23  }
0x19c: {  	v26, _, _ =	vpop (xrf2)  }
0x19d: {  	v27 =	vmov s26;
	v28 =	vmul.f32 v23, v23;
	(v2sf) =	vpush v26, $0xF  }
0x19e: {  	v23 =	vbroadcast v23, $0x0  }
0x19f: {  	v26 =	vsub.f32 v14, v28  }
0x1a0: {  	v14 =	vsub.f32 v13, v23;
	v13 =	vsub.f32 v11, v23;
	s26 =	spop (v2sf)  }
0x1a1: {  	v15 =	vsub.f32 v15, v23;
	s26 =	smul.f32 $1.562500000e-02, s26;
	v26 =	vadd.f32 $9.999999740e-06, v26  }
0x1a2: {  	v11 =	vsub.f32 v21, v23;
	s28 =	spop (v2sf)  }
0x1a3: {  	v21 =	vmov s26;
	s26 =	smul.f32 $1.562500000e-02, s28;
	v23 =	vbroadcast v26, $0x0;
	s28 =	spop (v2sf)  }
0x1a4: {  	v28 =	vadd.f32 $0.0e+00, v21;
	v21 =	vadd.f32 $0.0e+00, v27;
	s28 =	smul.f32 $1.562500000e-02, s28  }
0x1a5: {  	v27 =	vmov s26;
	v26 =	vmul.f32 $5.000000000e-01, v23;
	v23 =	vshra.s32 v23, $0x1  }
0x1a6: {  	v27 =	vadd.f32 $0.0e+00, v27;
	v29 =	vmul.f32 v21, v21;
	v31 =	vmov s28;
	s26 =	spop (v2sf)  }
0x1a7: {  	v30 =	vbroadcast v28, $0x0;
	v32 =	vbroadcast v21, $0x0;
	v33 =	vsub.s32 $0x5F3759DF, v23;
	s26 =	smul.f32 $1.562500000e-02, s26  }
0x1a8: {  	v23 =	vsub.f32 v27, v29;
	v27 =	vmul.f32 v33, v26  }
0x1a9: {  	v21 =	vsub.f32 v12, v32;
	v22 =	vsub.f32 v22, v32;
	v29 =	vmov s26  }
0x1aa: {  	v28 =	vmul.f32 v28, v28;
	v12 =	vadd.f32 $0.0e+00, v29;
	v29 =	vadd.f32 $9.999999740e-06, v23  }
0x1ab: {  	v20 =	vsub.f32 v20, v32;
	v23 =	vsub.f32 v16, v32;
	v27 =	vmul.f32 v33, v27  }
0x1ac: {  	v28 =	vsub.f32 v12, v28;
	v12 =	vsub.f32 v24, v30;
	v29 =	vbroadcast v29, $0x0;
	s26 =	spop (v2sf)  }
0x1ad: {  	v16 =	vsub.f32 v19, v30;
	v19 =	vsub.f32 $1.500000000e+00, v27;
	s26 =	smul.f32 $1.562500000e-02, s26  }
0x1ae: {  	v27 =	vadd.f32 $9.999999740e-06, v28;
	v24 =	vmul.f32 $5.000000000e-01, v29;
	v28 =	vshra.s32 v29, $0x1  }
0x1af: {  	v29 =	vmul.f32 v33, v19;
	v28 =	vsub.s32 $0x5F3759DF, v28;
	v19 =	vmov s26  }
0x1b0: {  	v27 =	vbroadcast v27, $0x0;
	v32 =	vmul.f32 v28, v24;
	v33 =	vadd.f32 $0.0e+00, v19  }
0x1b1: {  	v17 =	vsub.f32 v17, v30;
	v19 =	vsub.f32 v25, v30;
	v34 =	vmul.f32 v29, v26  }
0x1b2: {  	v25 =	vmul.f32 $5.000000000e-01, v27;
	v27 =	vshra.s32 v27, $0x1;
	v32 =	vmul.f32 v28, v32  }
0x1b3: {  	v31 =	vadd.f32 $0.0e+00, v31;
	v35 =	vmul.f32 v33, v33;
	v30 =	vsub.s32 $0x5F3759DF, v27  }
.Ltmp1:
0x1b4: {  	v34 =	vmul.f32 v34, v29;
	v36 =	vmul.f32 v30, v25;
	v32 =	vsub.f32 $1.500000000e+00, v32;
	(pc) =	sbr.rel @p0 .LBB2_5-.Ltmp1, $4  }
0x1b5: {  	v27 =	vbroadcast v33, $0x0;
	v31 =	vsub.f32 v31, v35  }
0x1b6: {  	v34 =	vsub.f32 $1.500000000e+00, v34;
	v33 =	vmul.f32 v30, v36;
	v28 =	vmul.f32 v28, v32  }
0x1b7: {  	v18 =	vsub.f32 v18, v27;
	v31 =	vadd.f32 $9.999999740e-06, v31  }
0x1b8: {  	v29 =	vmul.f32 v34, v29;
	v32 =	vsub.f32 $1.500000000e+00, v33;
	v33 =	vmul.f32 v28, v24  }
0x1b9: {  	v31 =	vbroadcast v31, $0x0;
	_ =	sdelay $0x1  }
0x1ba: {  	v30 =	vmul.f32 v30, v32;
	v43 =	vmul.f32 $5.000000000e-01, v31;
	v31 =	vshra.s32 v31, $0x1  }
0x1bb: {  	v42 =	vmul.f32 v33, v28;
	v26 =	vmul.f32 v29, v26;
	v31 =	vsub.s32 $0x5F3759DF, v31  }
0x1bc: {  	v34 =	vmul.f32 v30, v25;
	v35 =	vmul.f32 v31, v43  }
0x1bd: {  	v32 =	vsub.f32 $1.500000000e+00, v42;
	v26 =	vmul.f32 v26, v29  }
0x1be: {  	v34 =	vmul.f32 v34, v30;
	v45 =	vmul.f32 v31, v35  }
0x1bf: {  	v44 =	vmul.f32 v32, v28;
	v26 =	vsub.f32 $1.500000000e+00, v26  }
0x1c0: {  	v34 =	vsub.f32 $1.500000000e+00, v34;
	v32 =	vsub.f32 $1.500000000e+00, v45  }
0x1c1: {  	v24 =	vmul.f32 v44, v24;
	v26 =	vmul.f32 v26, v29  }
0x1c2: {  	v46 =	vmul.f32 v34, v30;
	v47 =	vmul.f32 v31, v32  }
0x1c3: {  	v24 =	vmul.f32 v24, v44;
	v14 =	vmul.f32 v26, v14  }
0x1c4: {  	v13 =	vmul.f32 v26, v13;
	v31 =	vmul.f32 v47, v43  }
0x1c5: {  	v15 =	vmul.f32 v26, v15;
	v11 =	vmul.f32 v26, v11  }
0x1c6: {  	v48 =	vmul.f32 v46, v25;
	v24 =	vsub.f32 $1.500000000e+00, v24;
	v49 =	vmul.f32 v31, v47  }
0x1c7: {  	v10 =	vsub.f32 v10, v27;
	v13 =	vmul.f32 v13, v3;
	v14 =	vmul.f32 v14, v0  }
0x1c8: {  	v15 =	vmul.f32 v15, v2;
	v24 =	vmul.f32 v24, v44;
	v28 =	vsub.f32 $1.500000000e+00, v49  }
0x1c9: {  	v9 =	vsub.f32 v9, v27;
	v11 =	vmul.f32 v11, v1;
	v25 =	vmul.f32 v48, v46  }
0x1ca: {  	v8 =	vsub.f32 v8, v27;
	v21 =	vmul.f32 v24, v21;
	v28 =	vmul.f32 v28, v47  }
0x1cb: {  	v25 =	vsub.f32 $1.500000000e+00, v25;
	v22 =	vmul.f32 v24, v22;
	v23 =	vmul.f32 v24, v23  }
0x1cc: {  	v13 =	vadd.f32 v13, v7;
	v20 =	vmul.f32 v24, v20;
	v50 =	vmul.f32 v28, v43  }
0x1cd: {  	v14 =	vadd.f32 v14, v4;
	v25 =	vmul.f32 v25, v46;
	v21 =	vmul.f32 v21, v0  }
0x1ce: {  	v53 =	vadd.f32 v15, v6;
	[tilespmem:s24+$0x21B0] =	vst v13;
	v23 =	vmul.f32 v23, v3;
	v52 =	vmul.f32 v50, v28  }
0x1cf: {  	v11 =	vadd.f32 v11, v5;
	[tilespmem:s24+$0x2180] =	vst v14;
	v20 =	vmul.f32 v20, v1;
	v55 =	vmul.f32 v22, v2  }
0x1d0: {  	[tilespmem:s24+$0x21A0] =	vst v53;
	v51 =	vadd.f32 v21, v4;
	v16 =	vmul.f32 v25, v16;
	v21 =	vsub.f32 $1.500000000e+00, v52  }
0x1d1: {  	[tilespmem:s24+$0x2190] =	vst v11;
	v54 =	vadd.f32 v23, v7;
	v56 =	vmul.f32 v25, v17;
	v57 =	vmul.f32 v25, v19  }
0x1d2: {  	v20 =	vadd.f32 v20, v5;
	[tilespmem:s24+$0x2140] =	vst v51;
	v16 =	vmul.f32 v16, v2;
	v58 =	vmul.f32 v21, v28  }
0x1d3: {  	v12 =	vmul.f32 v25, v12;
	v13 =	vadd.f32 v55, v6;
	[tilespmem:s24+$0x2170] =	vst v54;
	v14 =	vmul.f32 v56, v1  }
0x1d4: {  	[tilespmem:s24+$0x2150] =	vst v20;
	v15 =	vmul.f32 v57, v3;
	v59 =	vadd.f32 v16, v6;
	v60 =	vmul.f32 v58, v18  }
0x1d5: {  	v12 =	vmul.f32 v12, v0;
	[tilespmem:s24+$0x2160] =	vst v13;
	v14 =	vadd.f32 v14, v5;
	v8 =	vmul.f32 v58, v8  }
0x1d6: {  	v61 =	vadd.f32 v15, v7;
	[tilespmem:s24+$0x2120] =	vst v59;
	v9 =	vmul.f32 v58, v9;
	v62 =	vmul.f32 v60, v0  }
0x1d7: {  	v12 =	vadd.f32 v12, v4;
	[tilespmem:s24+$0x2110] =	vst v14;
	v10 =	vmul.f32 v58, v10;
	v8 =	vmul.f32 v8, v1  }
0x1d8: {  	s22 =	sadd.s32 $0x1, s22;
	[tilespmem:s24+$0x2130] =	vst v61;
	v9 =	vmul.f32 v9, v3;
	v63 =	vadd.f32 v62, v4  }
0x1d9: {  	p0 =	sne.s32 s22, $0x64;
	[tilespmem:s24+$0x2100] =	vst v12;
	v10 =	vmul.f32 v10, v2;
	v8 =	vadd.f32 v8, v5  }
.Ltmp2:
0x1da: {  	v9 =	vadd.f32 v9, v7;
	[tilespmem:s24+$0x21C0] =	vst v63;
	(pc) =	sbr.rel @p0 .LBB2_2-.Ltmp2, $4  }
0x1db: {  	s23 =	sshll.u32 s23, $0x3;
	[tilespmem:s24+$0x21D0] =	vst v8;
	v8 =	vadd.f32 v10, v6  }
0x1dc: {  	s23 =	sand.u32 $0x1FFFFC00, s23;
	[tilespmem:s24+$0x21F0] =	vst v9  }
0x1dd: {  	s23 =	sadd.s32 s4, s23;
	[tilespmem:s24+$0x21E0] =	vst v8  }
0x1de: {  	[hbm4b:s23+s5] =	stream.linear.scatter [tilespmem:s16], [sflag:$0x4], $0x2000, $0x38;
	[tilespmem:$0x4180] =	vst v63  }
0x1df: {  	s21 =	sadd.s32 $0x1, s21  }
0x1e0: {  	_ =	swait.ge [sflag:s19], $0x2000;
	p0 =	sne.s32 s21, s10  }
.Ltmp3:
0x1e1: {  	[sflag:s19] =	ssyncset.done $0x0;
	(pc) =	sbr.rel @p0 .LBB2_1-.Ltmp3, $4  }
0x1e2: {  	[sflag:s19] =	ssyncadd.s32 $0xFFFFE000  }
0x1e3: {  	_ =	swait.ge [sflag:s20], $0x2000  }
0x1e4: {  	[sflag:s20] =	ssyncset.done $0x0  }
0x1e5: {  	[sflag:s20] =	ssyncadd.s32 $0xFFFFE000  }
0x1e6: {  	_ =	sfence.sel $0x180000  }
0x1e7: {  	[bflag:$0x0] =	sbarrier.arrive $0xFFFF  }
0x1e8: {  	p0 =	sne.s32 s0, $0x0;
	_ =	strace $0x90000047  }
0x1e9: {  	s0 =	sadd.s32 @!p0 $0x100000, s2;
	[bflag:$0x2] =	sbarrier.arrive $0xFFFF  }
0x1ea: {  	[sflag:s0] =	ssyncadd.tile.s32 @!p0 $0x1;
	_ =	shalt  }
.Lfunc_end2:
_tile_overlayer_lowered:
.L_overlay_start_2:
0x1eb: {  	(tag) =	ssettag $0x2  }
0x1ec: {  	s0 =	rddreg [dreg:$0x0];
	s2 =	stileid.u32  }
0x1ed: {  	s1 =	rddreg [dreg:$0x1];
	p0 =	sne.s32 s2, $0x0  }
0x1ee: {  	s3 =	rddreg [dreg:$0x2];
	[bflag:$0x3] =	sbarrier.arrive $0xFFFF;
	s2 =	simm.s32 @!p0 $0x1C05  }
0x1ef: {  	[timem:s3], [sflag:s2] =	dma.local @!p0 [hbm:s0], s1  }
0x1f0: {  	s0 =	simm.s32 @!p0 $0x5  }
0x1f1: {  	_ =	swait.ge @!p0 [sflag:s0], s1  }
0x1f2: {  	s1 =	ssub.s32 @!p0 $0x0, s1;
	[sflag:s0] =	ssyncset.done @!p0 $0x0  }
0x1f3: {  	[sflag:s0] =	ssyncadd.s32 @!p0 s1  }
0x1f4: {  	[bflag:$0x3] =	sbarrier.arrive $0xFFFF  }
0x1f5: {  	_ =	shalt  }

// kernel: sparse-core-data-format-call.cloned.1.call-start
scs
called_computation_lowered:
.L_overlay_start_0:
0x0: {  	s2 =	sld [smem:$0x3FD9]  }
0x1: {  	s3 =	sld [smem:$0x3FFE];
	_ =	sdelay $0x1  }
0x2: {  	s1 =	srdreg.scid  }
0x3: {  	s0 =	sand.u32 $0x1, s1  }
0x4: {  	s18 =	sshll.u32 s0, $0xA;
	s2 =	sadd.s32 s3, s2  }
0x5: {  	s2 =	sadd.s32 s2, s18  }
0x6: {  	[smem:$0x3FC4] =	sst s2  }
0x7: {  	_ = 	snop  }
0x8: {  	s2 =	sld [smem:$0x3FD0];
	(tm) =	ssettm $0x1  }
0x9: {  	s19 =	sld [smem:$0x3FFB];
	_ =	sdelay $0x3  }
0xa: {  	_ =	strace s19  }
0xb: {  	s3 =	sld [smem:$0x3FFC];
	_ =	sdelay $0x3  }
0xc: {  	_ =	strace s3  }
0xd: {  	s3 =	sld [smem:$0x3FFD];
	_ =	sdelay $0x3  }
0xe: {  	_ =	strace s3  }
0xf: {  	_ =	strace $0x8FFFFFFF  }
0x10: {  	s20 =	sld [smem:$0x3FDB];
	_ =	sdelay $0x1  }
0x11: {  	s4 =	simm.s32 $_scs_section_size  }
0x12: {  	s5 =	simm.s32 $_size__tile_overlayer_lowered;
	s6 =	simm.s32 $_tile_overlayer_lowered  }
0x13: {  	s23 =	simm.s32 $0x1BFF;
	s22 =	sshll.u32 s6, $0x1;
	s3 =	sadd.s32 s4, s20  }
0x14: {  	s7 =	simm.s32 $0x0;
	s21 =	sshll.u32 s5, $0x1;
	s5 =	sadd.s32 s22, s3  }
0x15: {  	[timem:s7], [sflag:s23] =	dma.local [hbm:s5], s21  }
0x16: {  	_ =	swait.ge [sflag:s23], s21  }
0x17: {  	s4 =	ssub.s32 $0x0, s21;
	[sflag:s23] =	ssyncset.done $0x0  }
0x18: {  	[sflag:s23] =	ssyncadd.s32 s4;
	_ =	sdelay $0x1  }
0x19: {  	s24 =	simm.s32 $0x1B8B  }
0x1a: {  	_ =	swait.ge [sflag:s24], $0x1  }
0x1b: {  	[sflag:s24] =	ssyncset.done $0x0  }
0x1c: {  	s26 =	simm.s32 $0x1B8E;
	s25 =	sld [smem:$0x3FFE];
	[sflag:s24] =	ssyncadd.s32 $0xFFFFFFFF  }
0x1d: {  	s27 =	simm.s32 $execute0_lowered;
	[smem:$0x3FD2] =	sst s26  }
0x1e: {  	s5 =	sshll.u32 s27, $0x1;
	_ =	strace $0x80000049;
	[dreg:$0x1] =	wrdreg $0xFFFFFFFF  }
0x1f: {  	s28 =	simm.s32 $_size_execute0_lowered;
	s3 =	sadd.s32 s3, s5;
	[dreg:$0x0] =	wrdreg $0x0  }
0x20: {  	s5 =	sshll.u32 s28, $0x1;
	[dreg:$0x2] =	wrdreg s3  }
0x21: {  	[dreg:$0x3] =	wrdreg s5  }
0x22: {  	[dreg:$0x4] =	wrdreg $0xC0  }
0x23: {  	_ =	task [dreg:s7], $0x5FFFF  }
0x24: {  	[dreg:$0x1] =	wrdreg $0xFFFFFFFF  }
0x25: {  	[dreg:$0x0] =	wrdreg $0x60  }
0x26: {  	[dreg:$0x2] =	wrdreg s25  }
0x27: {  	[dreg:$0x3] =	wrdreg s2  }
0x28: {  	[dreg:$0x4] =	wrdreg $0x9  }
0x29: {  	_ =	task.clear_ibuf [dreg:s7], $0x5FFFF;
	_ =	strace $0x90000049  }
0x2a: {  	s29 =	simm.s32 $0x9;
	_ =	strace $0x8000004B  }
0x2b: {  	_ =	swait.ge [sflag:s29], $0x1  }
0x2c: {  	[sflag:s29] =	ssyncadd.s32 $0xFFFFFFFF  }
0x2d: {  	_ =	strace $0x9000004B  }
0x2e: {  	_ =	sfence  }
0x2f: {  	s30 =	sld [smem:$0x0];
	_ =	sdelay $0x2  }
0x30: {  	s31 =	sshll.u32 s1, $0xD;
	s1 =	sshrl.u32 s1, $0x2  }
0x31: {  	s3 =	sand.u32 $0x4000, s31;
	s1 =	sadd.s32 s1, s30  }
0x32: {  	s0 =	sor.u32 s3, s0;
	s1 =	sshll.u32 s1, $0x11  }
0x33: {  	s0 =	sor.u32 s1, s0  }
0x34: {  	s0 =	sadd.s32 $0x8F2B, s0  }
0x35: {  	[sflag:s0] =	ssyncadd.remote.s32 $0x1  }
0x36: {  	_ =	sfence.sel $0xFFFF  }
0x37: {  	[dreg:$0x0] =	wrdreg $0xFFFFFFFF;
	(pc) =	sbr.abs _section_cstart, $3  }
0x38: {  	[dreg:$0x1] =	wrdreg $0xFFFFFFFF  }
0x39: {  	_ =	task.clear_ibuf [dreg:s7], $0x2FFFF;
	_ =	strace $0x9FFFFFFF  }
0x3a: {  	(tm) =	ssettm $0x7FFFFFFF  }
0x3b: {  	_ =	shalt  }
tec
execute0_lowered:
.L_overlay_start_1:
0x0: {  	(tag) =	ssettag $0x1  }
0x1: {  	s0 =	srdreg.scid  }
0x2: {  	s1 =	sshll.u32 s0, $0x4  }
0x3: {  	s0 =	stileid.u32;
	s1 =	sand.u32 $0x10, s1  }
0x4: {  	s1 =	sor.u32 s0, s1  }
0x5: {  	s6 =	rddreg [dreg:$0x0];
	s4 =	simm.s32 $0x1;
	s2 =	sshll.u32 s1, $0x7  }
0x6: {  	s7 =	simm.s32 $0x2;
	s12 =	simm.s32 $0x0;
	s1 =	ssub.s32 $0x4000, s2  }
0x7: {  	s8 =	simm.s32 $0x20000;
	s13 =	simm.s32 $0x0;
	s3 =	sand.u32 $0xF80, s1  }
0x8: {  	s9 =	simm.s32 $0x0;
	s5 =	sshrl.u32 s1, $0xC;
	p0 =	sne.s32 s3, $0x0  }
.Ltmp0:
0x9: {  	s1 =	rddreg [dreg:$0x2];
	s4 =	simm.s32 @!p0 $0x0;
	(pc) =	sbr.rel .LBB1_1-.Ltmp0, $4  }
0xa: {  	s11 =	simm.s32 $0x0;
	s3 =	rddreg [dreg:$0x1];
	s5 =	sadd.s32 s4, s5  }
0xb: {  	_ =	strace $0x8000004A;
	s4 =	simm.s32 $0x1;
	s5 =	smul.u32 $0x32, s5  }
0xc: {  	s6 =	sadd.s32 $0xA00, s6;
	s10 =	smov.u32 s2;
	[sflag:s4] =	ssyncpa.u1 $0x0  }
0xd: {  	p0 =	por $0x0, $0x0;
	[sflag:s7] =	ssyncpa.u1 $0x0;
	s7 =	sor.u32 $0x1, s5  }
.LBB1_4:
0xe: {  	s16 =	sshll.u32 s13, $0x3;
	s17 =	sand.u32 $0x78, s13  }
0xf: {  	s30 =	sand.u32 $0x1F800, s13;
	s12 =	sshll.u32 s12, $0x11;
	s16 =	sand.u32 $0x3C00, s16  }
0x10: {  	[tilespmem:s15+$0x810 ss:$0x81] =	vst.msk $0xffff, v2;
	s31 =	sand.u32 $0x7, s13;
	s16 =	sor.u32 s17, s16;
	s17 =	sadd.s32 s3, s30  }
0x11: {  	[tilespmem:s15+$0x1020 ss:$0x81] =	vst.msk $0xffff, v0;
	s13 =	sshll.u32 s31, $0x12;
	s12 =	sadd.s32 s12, s17;
	s16 =	sshrl.u32 s16, $0x3  }
0x12: {  	[tilespmem:s15+$0x0 ss:$0x81] =	vst.msk $0xffff, v1;
	s13 =	sor.u32 $0x400, s13;
	s12 =	sadd.s32 s16, s12  }
0x13: {  	[hbm4b:s12+s13] =	stream.strided.scatter [tilespmem:s14], [sflag:$0x2], $0x2000, s8, s13, $0x20;
	[tilespmem:$0x8080] =	vst v63  }
.LBB1_5:
0x14: {  	s14 =	sadd.s32 $0x1, s9  }
0x15: {  	s12 =	sadd.s32 $0x1000, s10;
	s16 =	smov.u32 s10;
	p2 =	sgt.s32 s14, $0x31  }
0x16: {  	s16 =	smov.u32 @p2 s12  }
0x17: {  	s14 =	simm.s32 @p2 $0x0;
	p2 =	sgt.s32 s16, $0x3FFF  }
0x18: {  	s16 =	smov.u32 @p2 s2;
	p2 =	sne.s32 s11, s7  }
.Ltmp1:
0x19: {  	p1 =	slt.u32 s11, $0x2;
	(pc) =	sbr.rel @!p2 .LBB1_6-.Ltmp1, $4  }
0x1a: {  	s15 =	simm.s32 @!p1 $0x2  }
0x1b: {  	s13 =	smov.u32 s10;
	p0 =	por !p0, !p0;
	_ =	swait.ge @!p1 [sflag:s15], $0x2000  }
0x1c: {  	s12 =	smov.u32 s9;
	[sflag:s15] =	ssyncset.done @!p1 $0x0;
	s9 =	smov.u32 s14  }
0x1d: {  	s11 =	sadd.s32 $0x1, s11;
	[sflag:s15] =	ssyncadd.s32 @!p1 $0xFFFFE000;
	s10 =	smov.u32 s16  }
.LBB1_1:
0x1e: {  	p1 =	sge.u32 s11, s5  }
0x1f: {  	s14 =	sand.u32 @!p1 $0x1FFFFFF, s9  }
0x20: {  	s15 =	smulhi.u32 @!p1 $0x4924925, s14;
	_ =	sdelay $0x1  }
0x21: {  	s15 =	smul.u32 @!p1 $0x38, s15  }
0x22: {  	s16 =	sxor.u32 @!p1 $0xFFFFFFFF, s11;
	s17 =	smul.u32 @!p1 $0x380, s10  }
0x23: {  	s31 =	sadd.s32 $0xFFFFFFFF, s11;
	s16 =	sshll.u32 @!p1 s16, $0xD;
	s14 =	ssub.s32 @!p1 s14, s15  }
0x24: {  	s15 =	sand.u32 @!p1 $0x2000, s16;
	s16 =	sadd.s32 @!p1 s6, s17;
	s14 =	sshll.u32 @!p1 s14, $0x4  }
0x25: {  	s17 =	simm.s32 @!p1 $0x1C00;
	s14 =	sadd.s32 @!p1 s14, s16;
	s16 =	simm.s32 @!p1 $0x40  }
0x26: {  	[tilespmem:s15], [sflag:$0x1] =	stream.strided.gather @!p1 [hbm4b:s14+s16], $0x2000, s17, s16, $0x38;
	[tilespmem:$0x8080] =	vst v63  }
0x27: {  	p1 =	sge.u32 s31, s5  }
.Ltmp2:
0x28: {  	_ = 	snop;
	(pc) =	sbr.rel @p1 .LBB1_5-.Ltmp2, $1  }
0x29: {  	_ =	sdelay $0x3  }
0x2a: {  	s14 =	simm.s32 $0x1  }
0x2b: {  	_ =	swait.ge [sflag:s4], $0x2000;
	s14 =	simm.s32 @!p0 $0x0  }
0x2c: {  	[sflag:s4] =	ssyncset.done $0x0;
	s15 =	sshll.u32 s14, $0xD  }
0x2d: {  	[sflag:s4] =	ssyncadd.s32 $0xFFFFE000;
	s18 =	sor.u32 $0x20, s15  }
0x2e: {  	s14 =	smul.u32 $0x8100, s14;
	v3 =	vld [tilespmem:s18+$0x10]  }
0x2f: {  	s30 =	sand.u32 $0x1, s11;
	v2 =	vld [tilespmem:s18+$0xFFFFFFF0]  }
0x30: {  	s15 =	smul.u32 $0x8100, s30;
	s14 =	sshrl.u32 s14, $0x2;
	v0 =	vld [tilespmem:s18+$0x0]  }
0x31: {  	v1 =	vld [tilespmem:s18+$0xFFFFFFE0];
	s16 =	sor.u32 $0x4000, s14  }
0x32: {  	s31 =	sshrl.u32 s15, $0x2;
	s15 =	sadd.s32 $0x0, s16  }
0x33: {  	s17 =	simm.s32 $0x4;
	s18 =	sadd.s32 $0x40, s18;
	s14 =	sor.u32 $0x4000, s31;
	[tilespmem:s15+$0x1830 ss:$0x81] =	vst.msk $0xffff, v3  }
.LBB1_3:
0x34: {  	v3 =	vld [tilespmem:s18+$0x10];
	p1 =	sne.s32 s17, $0x1FC;
	[tilespmem:s15+$0x810 ss:$0x81] =	vst.msk $0xffff, v2;
	s19 =	smov.u32 s17;
	s17 =	sadd.s32 $0x4, s17  }
.Ltmp3:
0x35: {  	v2 =	vld [tilespmem:s18+$0xFFFFFFF0];
	[tilespmem:s15+$0x1020 ss:$0x81] =	vst.msk $0xffff, v0;
	(pc) =	sbr.rel @p1 .LBB1_3-.Ltmp3, $4  }
0x36: {  	v0 =	vld [tilespmem:s18+$0x0];
	[tilespmem:s15+$0x0 ss:$0x81] =	vst.msk $0xffff, v1  }
0x37: {  	s15 =	sshra.s32 s19, $0x2;
	v1 =	vld [tilespmem:s18+$0xFFFFFFE0]  }
0x38: {  	s15 =	sadd.s32 s15, s16  }
0x39: {  	s18 =	sadd.s32 $0x40, s18;
	[tilespmem:s15+$0x1830 ss:$0x81] =	vst.msk $0xffff, v3  }
.Ltmp4:
0x3a: {  	_ = 	snop;
	(pc) =	sbr.rel .LBB1_4-.Ltmp4, $1  }
0x3b: {  	_ =	sdelay $0x3  }
.LBB1_6:
0x3c: {  	_ =	sfence.sel $0x180000  }
0x3d: {  	s2 =	simm.s32 $0x1;
	[bflag:$0x0] =	sbarrier.arrive $0xFFFF  }
0x3e: {  	s31 =	simm.s32 $0x2;
	[sflag:s2] =	ssyncpa.u1 $0x1  }
0x3f: {  	[sflag:s31] =	ssyncpa.u1 $0x1  }
0x40: {  	p0 =	sne.s32 s0, $0x0;
	_ =	strace $0x9000004A  }
0x41: {  	s0 =	sadd.s32 @!p0 $0x100000, s1;
	[bflag:$0x2] =	sbarrier.arrive $0xFFFF  }
0x42: {  	[sflag:s0] =	ssyncadd.tile.s32 @!p0 $0x1;
	_ =	shalt  }
.Lfunc_end1:
_tile_overlayer_lowered:
.L_overlay_start_2:
0x43: {  	(tag) =	ssettag $0x2  }
0x44: {  	s0 =	rddreg [dreg:$0x0];
	s2 =	stileid.u32  }
0x45: {  	s1 =	rddreg [dreg:$0x1];
	p0 =	sne.s32 s2, $0x0  }
0x46: {  	s3 =	rddreg [dreg:$0x2];
	[bflag:$0x3] =	sbarrier.arrive $0xFFFF;
	s2 =	simm.s32 @!p0 $0x1C01  }
0x47: {  	[timem:s3], [sflag:s2] =	dma.local @!p0 [hbm:s0], s1  }
0x48: {  	s0 =	simm.s32 @!p0 $0x1  }
0x49: {  	_ =	swait.ge @!p0 [sflag:s0], s1  }
0x4a: {  	s1 =	ssub.s32 @!p0 $0x0, s1;
	[sflag:s0] =	ssyncset.done @!p0 $0x0  }
0x4b: {  	[sflag:s0] =	ssyncadd.s32 @!p0 s1  }
0x4c: {  	[bflag:$0x3] =	sbarrier.arrive $0xFFFF  }
0x4d: {  	_ =	shalt  }

</sc_bundles>
